<compile_context>
chip_gen: v7x
topology: tpu7x:2x2x1
jax: 0.10.2.dev20260603
libtpu: 0.0.44.dev20260713+nightly
codegen_flags: <defaults>
</compile_context>

<pallas_src>
import jax
import jax.numpy as jnp
from jax import lax
from jax.experimental import pallas as pl
from jax.experimental.pallas import tpu as pltpu
from jax.experimental.pallas import tpu_sc as plsc

_N = 10000
_E = 160000
_NCORES = 2
_NTILES = 16
_OPT = _N // _NTILES


def _make_segsum(width, nch, ch, nbuf, nacc, with_counts, split_edges,
                 two_tables):
  ipt = nacc // _NTILES
  out_types = [jax.ShapeDtypeStruct((_NCORES, _N, width), jnp.float32)]
  scratch = [
      pltpu.VMEM_SHARED((nacc, width), jnp.float32),
      pltpu.VMEM((nch, ch), jnp.int32),
      pltpu.VMEM((nch, ch), jnp.int32),
  ] + [pltpu.VMEM((ch, width), jnp.float32) for _ in range(nbuf)] + [
      pltpu.SemaphoreType.DMA for _ in range(nbuf)
  ]
  if with_counts:
    out_types.append(jax.ShapeDtypeStruct((_NCORES, _N, 16), jnp.float32))
    scratch += [
        pltpu.VMEM_SHARED((nacc, 16), jnp.float32),
        pltpu.VMEM((ch, 16), jnp.float32),
    ]
  mesh = plsc.VectorSubcoreMesh(core_axis_name="c", subcore_axis_name="s")
  n_tables = 2 if two_tables else 1

  def body(*refs):
    it = iter(refs)
    tables = [next(it) for _ in range(n_tables)]
    src_hbm = next(it)
    dst_hbm = next(it)
    zeros_hbm = next(it)
    if with_counts:
      zcnt_hbm = next(it)
      ones_hbm = next(it)
    msg_hbm = next(it)
    if with_counts:
      cnt_hbm = next(it)
    acc_sh = next(it)
    src_v = next(it)
    dst_v = next(it)
    rows = tuple(next(it) for _ in range(nbuf))
    sems = tuple(next(it) for _ in range(nbuf))
    if with_counts:
      cnt_sh = next(it)
      ones_v = next(it)

    c = lax.axis_index("c")
    s = lax.axis_index("s")

    pltpu.sync_copy(zeros_hbm, acc_sh.at[pl.ds(s * ipt, ipt)])
    if with_counts:
      pltpu.sync_copy(zcnt_hbm, cnt_sh.at[pl.ds(s * ipt, ipt)])
      pltpu.sync_copy(ones_hbm, ones_v)
    if split_edges:
      pltpu.sync_copy(src_hbm.at[c, s], src_v)
      pltpu.sync_copy(dst_hbm.at[c, s], dst_v)
    else:
      pltpu.sync_copy(src_hbm.at[s], src_v)
      pltpu.sync_copy(dst_hbm.at[s], dst_v)
    plsc.subcore_barrier()

    def start_gather(j, b):
      if two_tables:
        @pl.when(c == 0)
        def _():
          pltpu.async_copy(tables[0].at[src_v.at[j]], rows[b], sems[b])

        @pl.when(c == 1)
        def _():
          pltpu.async_copy(tables[1].at[src_v.at[j]], rows[b], sems[b])
      else:
        pltpu.async_copy(tables[0].at[src_v.at[j]], rows[b], sems[b])

    def consume(j, b):
      pltpu.make_async_copy(tables[0].at[src_v.at[j]], rows[b],
                            sems[b]).wait()
      nxt = j + nbuf

      @pl.when(nxt < nch)
      def _():
        start_gather(nxt, b)

      pltpu.sync_copy(rows[b], acc_sh.at[dst_v.at[j]], add=True)
      if with_counts:
        @pl.when(((c == 0) & (j < nch // 2)) | ((c == 1) & (j >= nch // 2)))
        def _():
          pltpu.sync_copy(ones_v, cnt_sh.at[dst_v.at[j]], add=True)

    for b in range(min(nbuf, nch)):
      start_gather(b, b)
    main = nch - nch % nbuf

    @pl.loop(0, main, step=nbuf)
    def _(k):
      for b in range(nbuf):
        consume(k + b, b)

    for r in range(nch % nbuf):
      consume(main + r, r)

    plsc.subcore_barrier()
    pltpu.sync_copy(acc_sh.at[pl.ds(s * _OPT, _OPT)],
                    msg_hbm.at[c, pl.ds(s * _OPT, _OPT)])
    if with_counts:
      pltpu.sync_copy(cnt_sh.at[pl.ds(s * _OPT, _OPT)],
                      cnt_hbm.at[c, pl.ds(s * _OPT, _OPT)])

  return pl.kernel(body, out_type=tuple(out_types), mesh=mesh,
                   scratch_types=scratch,
                   compiler_params=pltpu.CompilerParams(
                       use_tc_tiling_on_sc=False))


_NCH0, _CH0 = 250, 40
_NCH1, _CH1 = 125, 40
_segsum0 = _make_segsum(width=128, nch=_NCH0, ch=_CH0, nbuf=3, nacc=_N,
                        with_counts=True, split_edges=False, two_tables=True)
_segsum1 = _make_segsum(width=48, nch=_NCH1, ch=_CH1, nbuf=6, nacc=_N,
                        with_counts=False, split_edges=True, two_tables=False)

_RB = 1000


def _dense0_body(msg_ref, cnt_ref, x_ref, wa_ref, wr_ref, b0_ref,
                 w2a_ref, w2b_ref, y1_ref, y2_ref):
  acc = jnp.dot(msg_ref[0], wa_ref[:128, :], preferred_element_type=jnp.float32)
  acc = acc + jnp.dot(msg_ref[1], wa_ref[128:, :],
                      preferred_element_type=jnp.float32)
  cnt = jnp.max(cnt_ref[0] + cnt_ref[1], axis=1, keepdims=True)
  inv = 1.0 / jnp.maximum(cnt, 1.0)
  h = acc * inv + jnp.dot(x_ref[...], wr_ref[...],
                          preferred_element_type=jnp.float32) + b0_ref[...]
  x1 = jnp.maximum(h, 0.0)
  y1_ref[...] = jnp.dot(x1, w2a_ref[...], preferred_element_type=jnp.float32)
  y2_ref[...] = jnp.dot(x1, w2b_ref[...], preferred_element_type=jnp.float32)


_dense0 = pl.pallas_call(
    _dense0_body,
    grid=(_N // _RB,),
    in_specs=[
        pl.BlockSpec((_NCORES, _RB, 128), lambda i: (0, i, 0)),
        pl.BlockSpec((_NCORES, _RB, 16), lambda i: (0, i, 0)),
        pl.BlockSpec((_RB, 256), lambda i: (i, 0)),
        pl.BlockSpec((256, 256), lambda i: (0, 0)),
        pl.BlockSpec((256, 256), lambda i: (0, 0)),
        pl.BlockSpec((1, 256), lambda i: (0, 0)),
        pl.BlockSpec((256, 48), lambda i: (0, 0)),
        pl.BlockSpec((256, 48), lambda i: (0, 0)),
    ],
    out_specs=[
        pl.BlockSpec((_RB, 48), lambda i: (i, 0)),
        pl.BlockSpec((_RB, 48), lambda i: (i, 0)),
    ],
    out_shape=[
        jax.ShapeDtypeStruct((_N, 48), jnp.float32),
        jax.ShapeDtypeStruct((_N, 48), jnp.float32),
    ],
)


def _dense1_body(msg_ref, cnt_ref, y2_ref, c1_ref, out_ref):
  ssum = msg_ref[0] + msg_ref[1]
  cnt = jnp.max(cnt_ref[0] + cnt_ref[1], axis=1, keepdims=True)
  inv = 1.0 / jnp.maximum(cnt, 1.0)
  res = ssum * inv + y2_ref[...] + c1_ref[...]
  out_ref[...] = res[:, :40]


_dense1 = pl.pallas_call(
    _dense1_body,
    grid=(_N // _RB,),
    in_specs=[
        pl.BlockSpec((_NCORES, _RB, 48), lambda i: (0, i, 0)),
        pl.BlockSpec((_NCORES, _RB, 16), lambda i: (0, i, 0)),
        pl.BlockSpec((_RB, 48), lambda i: (i, 0)),
        pl.BlockSpec((1, 48), lambda i: (0, 0)),
    ],
    out_specs=pl.BlockSpec((_RB, 40), lambda i: (i, 0)),
    out_shape=jax.ShapeDtypeStruct((_N, 40), jnp.float32),
)


def kernel(x, edge_index, sage0_Wl, sage0_bl, sage0_Wr, lin0_W, lin0_b,
           sage1_Wl, sage1_bl, sage1_Wr, lin1_W, lin1_b):
  src = edge_index[0].astype(jnp.int32)
  dst = edge_index[1].astype(jnp.int32)

  x_lo = x[:, :128]
  x_hi = x[:, 128:]
  srcA = src.reshape(_NTILES, _NCH0, _CH0)
  dstA = dst.reshape(_NTILES, _NCH0, _CH0)
  zeros128 = jnp.zeros((_N // _NTILES, 128), jnp.float32)
  zeros16 = jnp.zeros((_N // _NTILES, 16), jnp.float32)
  ones = jnp.ones((_CH0, 16), jnp.float32)
  msg0, cnt = _segsum0(x_lo, x_hi, srcA, dstA, zeros128, zeros16, ones)

  b0 = (sage0_bl + lin0_b).reshape(1, 256)
  w2a = jnp.pad(sage1_Wl.T, ((0, 0), (0, 8)))
  w2b = jnp.pad(sage1_Wr.T, ((0, 0), (0, 8)))
  y1, y2 = _dense0(msg0, cnt, x, sage0_Wl.T, sage0_Wr.T, b0, w2a, w2b)

  srcC = src.reshape(_NCORES, _NTILES, _NCH1, _CH1)
  dstC = dst.reshape(_NCORES, _NTILES, _NCH1, _CH1)
  zeros48 = jnp.zeros((_N // _NTILES, 48), jnp.float32)
  (msg1,) = _segsum1(y1, srcC, dstC, zeros48)

  c1 = (sage1_bl + lin1_W @ lin0_b + lin1_b)
  c1p = jnp.pad(c1, (0, 8)).reshape(1, 48)
  return _dense1(msg1, cnt, y2, c1p)

# --- scband reference (transcript-rebuilt; emitter-appended) ---
"""Pipeline reference for scband-classifier-f-38817914421898 (READ-ONLY COPY).

The authoritative reference and input builder live on the scoring server;
editing this copy changes nothing except your own understanding.
"""

import jax, jax.numpy as jnp
import numpy as np

N = 10000
E = 160000
FEAT = 256
EMB = 256
HID = 256
OUT = 40


def setup_inputs(seed: int = 0) -> dict:
    key = jax.random.key(seed)
    ks = jax.random.split(key, 12)
    x = jax.random.normal(ks[0], (N, FEAT), dtype=jnp.float32)
    edge_index = jax.random.randint(ks[1], (2, E), 0, N, dtype=jnp.int64)
    s = 0.05
    return {
        "x": x,
        "edge_index": edge_index,
        "sage0_Wl": jax.random.normal(ks[2], (HID, FEAT), dtype=jnp.float32) * s,
        "sage0_bl": jnp.zeros((HID,), dtype=jnp.float32),
        "sage0_Wr": jax.random.normal(ks[3], (HID, FEAT), dtype=jnp.float32) * s,
        "lin0_W": jax.random.normal(ks[4], (HID, EMB), dtype=jnp.float32) * s,
        "lin0_b": jnp.zeros((HID,), dtype=jnp.float32),
        "sage1_Wl": jax.random.normal(ks[5], (OUT, HID), dtype=jnp.float32) * s,
        "sage1_bl": jnp.zeros((OUT,), dtype=jnp.float32),
        "sage1_Wr": jax.random.normal(ks[6], (OUT, HID), dtype=jnp.float32) * s,
        "lin1_W": jax.random.normal(ks[7], (OUT, EMB), dtype=jnp.float32) * s,
        "lin1_b": jnp.zeros((OUT,), dtype=jnp.float32),
    }


def _sage_conv(x_src, x_tgt, edge_index, Wl, bl, Wr):
    # PyG SAGEConv with mean aggregation: lin_l(mean_{j in N(i)} x_j) + lin_r(x_i)
    src = edge_index[0]
    dst = edge_index[1]
    n_tgt = x_tgt.shape[0]
    msg_sum = jax.ops.segment_sum(x_src[src], dst, num_segments=n_tgt)
    cnt = jax.ops.segment_sum(jnp.ones((src.shape[0],), dtype=x_src.dtype), dst, num_segments=n_tgt)
    mean = msg_sum / jnp.clip(cnt, 1.0)[:, None]
    return mean @ Wl.T + bl + x_tgt @ Wr.T


def reference(x, edge_index, sage0_Wl, sage0_bl, sage0_Wr, lin0_W, lin0_b,
              sage1_Wl, sage1_bl, sage1_Wr, lin1_W, lin1_b):
    # forward_full path, no 'mend_emb' -> x_emb starts as zeros; eval mode (dropout is identity)
    x_feat = x
    x_emb = jnp.zeros((x.shape[0], EMB), dtype=x.dtype)
    # layer 0
    h = _sage_conv(x_feat, x_feat, edge_index, sage0_Wl, sage0_bl, sage0_Wr)
    e = x_emb @ lin0_W.T + lin0_b
    x_feat = jax.nn.relu(h + e)
    x_emb = e
    # layer 1 (final)
    h = _sage_conv(x_feat, x_feat, edge_index, sage1_Wl, sage1_bl, sage1_Wr)
    e = x_emb @ lin1_W.T + lin1_b
    x_feat = h + e
    return x_feat

if __name__ == "__main__":
    import jax
    _d = setup_inputs()
    print(jax.jit(kernel)(*tuple(_d.values())))

</pallas_src>

<mosaic_0001>
#map = affine_map<(d0, d1) -> (0, 0)>
#map1 = affine_map<(d0, d1) -> (0, 0, 0, 0)>
#map2 = affine_map<(d0, d1) -> (0, 0, 0)>
module attributes {stable_mosaic.version = 14 : i64} {
  func.func @body(%arg0: i32, %arg1: i32, %arg2: memref<10000x48xf32, #tpu.memory_space<hbm>>, %arg3: memref<2x16x125x40xi32, #tpu.memory_space<hbm>>, %arg4: memref<2x16x125x40xi32, #tpu.memory_space<hbm>>, %arg5: memref<625x48xf32, #tpu.memory_space<hbm>>, %arg6: memref<2x10000x48xf32, #tpu.memory_space<hbm>>, %arg7: memref<10000x48xf32, #tpu.memory_space<vmem_shared>>, %arg8: memref<125x40xi32, #tpu.memory_space<vmem>>, %arg9: memref<125x40xi32, #tpu.memory_space<vmem>>, %arg10: memref<40x48xf32, #tpu.memory_space<vmem>>, %arg11: memref<40x48xf32, #tpu.memory_space<vmem>>, %arg12: memref<40x48xf32, #tpu.memory_space<vmem>>, %arg13: memref<40x48xf32, #tpu.memory_space<vmem>>, %arg14: memref<40x48xf32, #tpu.memory_space<vmem>>, %arg15: memref<40x48xf32, #tpu.memory_space<vmem>>, %arg16: memref<!tpu.dma_semaphore, #tpu.memory_space<semaphore_mem>>, %arg17: memref<!tpu.dma_semaphore, #tpu.memory_space<semaphore_mem>>, %arg18: memref<!tpu.dma_semaphore, #tpu.memory_space<semaphore_mem>>, %arg19: memref<!tpu.dma_semaphore, #tpu.memory_space<semaphore_mem>>, %arg20: memref<!tpu.dma_semaphore, #tpu.memory_space<semaphore_mem>>, %arg21: memref<!tpu.dma_semaphore, #tpu.memory_space<semaphore_mem>>) attributes {dimension_semantics = [#tpu.dimension_semantics<core_parallel>, #tpu.dimension_semantics<subcore_parallel>], iteration_bounds = array<i64: 2, 16>, scalar_prefetch = 0 : i64, scratch_operands = 15 : i64, tpu.core_type = #tpu.core_type<sc_vector_subcore>, window_params = [{transform_indices = #map}, {transform_indices = #map1}, {transform_indices = #map1}, {transform_indices = #map}, {transform_indices = #map2}]} {
    %mul3A = arith.constant 625 : i32
    %mul3A_0 = arith.muli %arg1, %mul3A : i32
    "tpu.region"() ({
      %run_scoped3A_89 = tpu.sem_alloc : memref<!tpu.dma_semaphore, #tpu.memory_space<semaphore_mem>>
      %dma_start3A_90 = arith.constant 0 : i32
      %dma_start3A_91 = tpu.memref_slice %arg7[%mul3A_0, %dma_start3A_90] : memref<10000x48xf32, #tpu.memory_space<vmem_shared>> -> memref<625x48xf32, #tpu.memory_space<vmem_shared>>
      tpu.enqueue_dma source(%arg5 : memref<625x48xf32, #tpu.memory_space<hbm>>) target(%dma_start3A_91 : memref<625x48xf32, #tpu.memory_space<vmem_shared>>) target_semaphore(%run_scoped3A_89 : memref<!tpu.dma_semaphore, #tpu.memory_space<semaphore_mem>>)
      %dma_wait3A_92 = arith.constant 0 : i32
      %dma_wait3A_93 = tpu.memref_slice %arg7[%mul3A_0, %dma_wait3A_92] : memref<10000x48xf32, #tpu.memory_space<vmem_shared>> -> memref<625x48xf32, #tpu.memory_space<vmem_shared>>
      tpu.wait_dma2 semaphore(%run_scoped3A_89 : memref<!tpu.dma_semaphore, #tpu.memory_space<semaphore_mem>>) src(%arg5 : memref<625x48xf32, #tpu.memory_space<hbm>>) dst(%dma_wait3A_93 : memref<625x48xf32, #tpu.memory_space<vmem_shared>>)
      tpu.yield
    }) : () -> ()
    "tpu.region"() ({
      %run_scoped3A_89 = tpu.sem_alloc : memref<!tpu.dma_semaphore, #tpu.memory_space<semaphore_mem>>
      %dma_start3A_90 = arith.constant 0 : i32
      %dma_start3A_91 = arith.constant 0 : i32
      %dma_start3A_92 = tpu.memref_slice %arg3[%arg0, %arg1, %dma_start3A_90, %dma_start3A_91] : memref<2x16x125x40xi32, #tpu.memory_space<hbm>> -> memref<1x1x125x40xi32, #tpu.memory_space<hbm>>
      %dma_start3A_93 = tpu.memref_squeeze %dma_start3A_92 : memref<1x1x125x40xi32, #tpu.memory_space<hbm>> -> memref<125x40xi32, #tpu.memory_space<hbm>>
      %dma_start3A_94 = arith.constant 0 : i32
      %dma_start3A_95 = arith.constant 0 : i32
      %dma_start3A_96 = tpu.memref_slice %arg3[%arg0, %arg1, %dma_start3A_94, %dma_start3A_95] : memref<2x16x125x40xi32, #tpu.memory_space<hbm>> -> memref<1x1x125x40xi32, #tpu.memory_space<hbm>>
      %dma_start3A_97 = tpu.memref_squeeze %dma_start3A_96 : memref<1x1x125x40xi32, #tpu.memory_space<hbm>> -> memref<125x40xi32, #tpu.memory_space<hbm>>
      tpu.enqueue_dma source(%dma_start3A_97 : memref<125x40xi32, #tpu.memory_space<hbm>>) target(%arg8 : memref<125x40xi32, #tpu.memory_space<vmem>>) target_semaphore(%run_scoped3A_89 : memref<!tpu.dma_semaphore, #tpu.memory_space<semaphore_mem>>)
      %dma_wait3A_98 = arith.constant 0 : i32
      %dma_wait3A_99 = arith.constant 0 : i32
      %dma_wait3A_100 = tpu.memref_slice %arg3[%arg0, %arg1, %dma_wait3A_98, %dma_wait3A_99] : memref<2x16x125x40xi32, #tpu.memory_space<hbm>> -> memref<1x1x125x40xi32, #tpu.memory_space<hbm>>
      %dma_wait3A_101 = tpu.memref_squeeze %dma_wait3A_100 : memref<1x1x125x40xi32, #tpu.memory_space<hbm>> -> memref<125x40xi32, #tpu.memory_space<hbm>>
      %dma_wait3A_102 = arith.constant 0 : i32
      %dma_wait3A_103 = arith.constant 0 : i32
      %dma_wait3A_104 = tpu.memref_slice %arg3[%arg0, %arg1, %dma_wait3A_102, %dma_wait3A_103] : memref<2x16x125x40xi32, #tpu.memory_space<hbm>> -> memref<1x1x125x40xi32, #tpu.memory_space<hbm>>
      %dma_wait3A_105 = tpu.memref_squeeze %dma_wait3A_104 : memref<1x1x125x40xi32, #tpu.memory_space<hbm>> -> memref<125x40xi32, #tpu.memory_space<hbm>>
      tpu.wait_dma2 semaphore(%run_scoped3A_89 : memref<!tpu.dma_semaphore, #tpu.memory_space<semaphore_mem>>) src(%dma_wait3A_105 : memref<125x40xi32, #tpu.memory_space<hbm>>) dst(%arg8 : memref<125x40xi32, #tpu.memory_space<vmem>>)
      tpu.yield
    }) : () -> ()
    "tpu.region"() ({
      %run_scoped3A_89 = tpu.sem_alloc : memref<!tpu.dma_semaphore, #tpu.memory_space<semaphore_mem>>
      %dma_start3A_90 = arith.constant 0 : i32
      %dma_start3A_91 = arith.constant 0 : i32
      %dma_start3A_92 = tpu.memref_slice %arg4[%arg0, %arg1, %dma_start3A_90, %dma_start3A_91] : memref<2x16x125x40xi32, #tpu.memory_space<hbm>> -> memref<1x1x125x40xi32, #tpu.memory_space<hbm>>
      %dma_start3A_93 = tpu.memref_squeeze %dma_start3A_92 : memref<1x1x125x40xi32, #tpu.memory_space<hbm>> -> memref<125x40xi32, #tpu.memory_space<hbm>>
      %dma_start3A_94 = arith.constant 0 : i32
      %dma_start3A_95 = arith.constant 0 : i32
      %dma_start3A_96 = tpu.memref_slice %arg4[%arg0, %arg1, %dma_start3A_94, %dma_start3A_95] : memref<2x16x125x40xi32, #tpu.memory_space<hbm>> -> memref<1x1x125x40xi32, #tpu.memory_space<hbm>>
      %dma_start3A_97 = tpu.memref_squeeze %dma_start3A_96 : memref<1x1x125x40xi32, #tpu.memory_space<hbm>> -> memref<125x40xi32, #tpu.memory_space<hbm>>
      tpu.enqueue_dma source(%dma_start3A_97 : memref<125x40xi32, #tpu.memory_space<hbm>>) target(%arg9 : memref<125x40xi32, #tpu.memory_space<vmem>>) target_semaphore(%run_scoped3A_89 : memref<!tpu.dma_semaphore, #tpu.memory_space<semaphore_mem>>)
      %dma_wait3A_98 = arith.constant 0 : i32
      %dma_wait3A_99 = arith.constant 0 : i32
      %dma_wait3A_100 = tpu.memref_slice %arg4[%arg0, %arg1, %dma_wait3A_98, %dma_wait3A_99] : memref<2x16x125x40xi32, #tpu.memory_space<hbm>> -> memref<1x1x125x40xi32, #tpu.memory_space<hbm>>
      %dma_wait3A_101 = tpu.memref_squeeze %dma_wait3A_100 : memref<1x1x125x40xi32, #tpu.memory_space<hbm>> -> memref<125x40xi32, #tpu.memory_space<hbm>>
      %dma_wait3A_102 = arith.constant 0 : i32
      %dma_wait3A_103 = arith.constant 0 : i32
      %dma_wait3A_104 = tpu.memref_slice %arg4[%arg0, %arg1, %dma_wait3A_102, %dma_wait3A_103] : memref<2x16x125x40xi32, #tpu.memory_space<hbm>> -> memref<1x1x125x40xi32, #tpu.memory_space<hbm>>
      %dma_wait3A_105 = tpu.memref_squeeze %dma_wait3A_104 : memref<1x1x125x40xi32, #tpu.memory_space<hbm>> -> memref<125x40xi32, #tpu.memory_space<hbm>>
      tpu.wait_dma2 semaphore(%run_scoped3A_89 : memref<!tpu.dma_semaphore, #tpu.memory_space<semaphore_mem>>) src(%dma_wait3A_105 : memref<125x40xi32, #tpu.memory_space<hbm>>) dst(%arg9 : memref<125x40xi32, #tpu.memory_space<vmem>>)
      tpu.yield
    }) : () -> ()
    %barrier3A = arith.constant 0 : index
    tpu.barrier barrier_id(%barrier3A)
    %dma_start3A = arith.constant 0 : i32
    %dma_start3A_1 = arith.constant 0 : i32
    %dma_start3A_2 = tpu.memref_slice %arg8[%dma_start3A, %dma_start3A_1] : memref<125x40xi32, #tpu.memory_space<vmem>> -> memref<1x40xi32, #tpu.memory_space<vmem>>
    %dma_start3A_3 = tpu.memref_squeeze %dma_start3A_2 : memref<1x40xi32, #tpu.memory_space<vmem>> -> memref<40xi32, #tpu.memory_space<vmem>>
    %dma_start3A_4 = arith.constant 0 : i32
    %dma_start3A_5 = arith.constant 0 : i32
    %dma_start3A_6 = tpu.memref_slice %arg2[%dma_start3A_4, %dma_start3A_5] : memref<10000x48xf32, #tpu.memory_space<hbm>> -> memref<10000x48xf32, #tpu.memory_space<hbm>>
    tpu.enqueue_indirect_dma source(%dma_start3A_6 : memref<10000x48xf32, #tpu.memory_space<hbm>>) target(%arg10 : memref<40x48xf32, #tpu.memory_space<vmem>>) offsets(%dma_start3A_3 : memref<40xi32, #tpu.memory_space<vmem>>) semaphore(%arg16 : memref<!tpu.dma_semaphore, #tpu.memory_space<semaphore_mem>>)
    %dma_start3A_7 = arith.constant 1 : i32
    %dma_start3A_8 = arith.constant 0 : i32
    %dma_start3A_9 = tpu.memref_slice %arg8[%dma_start3A_7, %dma_start3A_8] : memref<125x40xi32, #tpu.memory_space<vmem>> -> memref<1x40xi32, #tpu.memory_space<vmem>>
    %dma_start3A_10 = tpu.memref_squeeze %dma_start3A_9 : memref<1x40xi32, #tpu.memory_space<vmem>> -> memref<40xi32, #tpu.memory_space<vmem>>
    %dma_start3A_11 = arith.constant 0 : i32
    %dma_start3A_12 = arith.constant 0 : i32
    %dma_start3A_13 = tpu.memref_slice %arg2[%dma_start3A_11, %dma_start3A_12] : memref<10000x48xf32, #tpu.memory_space<hbm>> -> memref<10000x48xf32, #tpu.memory_space<hbm>>
    tpu.enqueue_indirect_dma source(%dma_start3A_13 : memref<10000x48xf32, #tpu.memory_space<hbm>>) target(%arg11 : memref<40x48xf32, #tpu.memory_space<vmem>>) offsets(%dma_start3A_10 : memref<40xi32, #tpu.memory_space<vmem>>) semaphore(%arg17 : memref<!tpu.dma_semaphore, #tpu.memory_space<semaphore_mem>>)
    %dma_start3A_14 = arith.constant 2 : i32
    %dma_start3A_15 = arith.constant 0 : i32
    %dma_start3A_16 = tpu.memref_slice %arg8[%dma_start3A_14, %dma_start3A_15] : memref<125x40xi32, #tpu.memory_space<vmem>> -> memref<1x40xi32, #tpu.memory_space<vmem>>
    %dma_start3A_17 = tpu.memref_squeeze %dma_start3A_16 : memref<1x40xi32, #tpu.memory_space<vmem>> -> memref<40xi32, #tpu.memory_space<vmem>>
    %dma_start3A_18 = arith.constant 0 : i32
    %dma_start3A_19 = arith.constant 0 : i32
    %dma_start3A_20 = tpu.memref_slice %arg2[%dma_start3A_18, %dma_start3A_19] : memref<10000x48xf32, #tpu.memory_space<hbm>> -> memref<10000x48xf32, #tpu.memory_space<hbm>>
    tpu.enqueue_indirect_dma source(%dma_start3A_20 : memref<10000x48xf32, #tpu.memory_space<hbm>>) target(%arg12 : memref<40x48xf32, #tpu.memory_space<vmem>>) offsets(%dma_start3A_17 : memref<40xi32, #tpu.memory_space<vmem>>) semaphore(%arg18 : memref<!tpu.dma_semaphore, #tpu.memory_space<semaphore_mem>>)
    %dma_start3A_21 = arith.constant 3 : i32
    %dma_start3A_22 = arith.constant 0 : i32
    %dma_start3A_23 = tpu.memref_slice %arg8[%dma_start3A_21, %dma_start3A_22] : memref<125x40xi32, #tpu.memory_space<vmem>> -> memref<1x40xi32, #tpu.memory_space<vmem>>
    %dma_start3A_24 = tpu.memref_squeeze %dma_start3A_23 : memref<1x40xi32, #tpu.memory_space<vmem>> -> memref<40xi32, #tpu.memory_space<vmem>>
    %dma_start3A_25 = arith.constant 0 : i32
    %dma_start3A_26 = arith.constant 0 : i32
    %dma_start3A_27 = tpu.memref_slice %arg2[%dma_start3A_25, %dma_start3A_26] : memref<10000x48xf32, #tpu.memory_space<hbm>> -> memref<10000x48xf32, #tpu.memory_space<hbm>>
    tpu.enqueue_indirect_dma source(%dma_start3A_27 : memref<10000x48xf32, #tpu.memory_space<hbm>>) target(%arg13 : memref<40x48xf32, #tpu.memory_space<vmem>>) offsets(%dma_start3A_24 : memref<40xi32, #tpu.memory_space<vmem>>) semaphore(%arg19 : memref<!tpu.dma_semaphore, #tpu.memory_space<semaphore_mem>>)
    %dma_start3A_28 = arith.constant 4 : i32
    %dma_start3A_29 = arith.constant 0 : i32
    %dma_start3A_30 = tpu.memref_slice %arg8[%dma_start3A_28, %dma_start3A_29] : memref<125x40xi32, #tpu.memory_space<vmem>> -> memref<1x40xi32, #tpu.memory_space<vmem>>
    %dma_start3A_31 = tpu.memref_squeeze %dma_start3A_30 : memref<1x40xi32, #tpu.memory_space<vmem>> -> memref<40xi32, #tpu.memory_space<vmem>>
    %dma_start3A_32 = arith.constant 0 : i32
    %dma_start3A_33 = arith.constant 0 : i32
    %dma_start3A_34 = tpu.memref_slice %arg2[%dma_start3A_32, %dma_start3A_33] : memref<10000x48xf32, #tpu.memory_space<hbm>> -> memref<10000x48xf32, #tpu.memory_space<hbm>>
    tpu.enqueue_indirect_dma source(%dma_start3A_34 : memref<10000x48xf32, #tpu.memory_space<hbm>>) target(%arg14 : memref<40x48xf32, #tpu.memory_space<vmem>>) offsets(%dma_start3A_31 : memref<40xi32, #tpu.memory_space<vmem>>) semaphore(%arg20 : memref<!tpu.dma_semaphore, #tpu.memory_space<semaphore_mem>>)
    %dma_start3A_35 = arith.constant 5 : i32
    %dma_start3A_36 = arith.constant 0 : i32
    %dma_start3A_37 = tpu.memref_slice %arg8[%dma_start3A_35, %dma_start3A_36] : memref<125x40xi32, #tpu.memory_space<vmem>> -> memref<1x40xi32, #tpu.memory_space<vmem>>
    %dma_start3A_38 = tpu.memref_squeeze %dma_start3A_37 : memref<1x40xi32, #tpu.memory_space<vmem>> -> memref<40xi32, #tpu.memory_space<vmem>>
    %dma_start3A_39 = arith.constant 0 : i32
    %dma_start3A_40 = arith.constant 0 : i32
    %dma_start3A_41 = tpu.memref_slice %arg2[%dma_start3A_39, %dma_start3A_40] : memref<10000x48xf32, #tpu.memory_space<hbm>> -> memref<10000x48xf32, #tpu.memory_space<hbm>>
    tpu.enqueue_indirect_dma source(%dma_start3A_41 : memref<10000x48xf32, #tpu.memory_space<hbm>>) target(%arg15 : memref<40x48xf32, #tpu.memory_space<vmem>>) offsets(%dma_start3A_38 : memref<40xi32, #tpu.memory_space<vmem>>) semaphore(%arg21 : memref<!tpu.dma_semaphore, #tpu.memory_space<semaphore_mem>>)
    %scan3A = arith.constant 0 : i32
    %scan3A_42 = arith.constant 20 : i32
    %scan3A_43 = arith.addi %scan3A, %scan3A_42 : i32
    %scan3A_44 = arith.constant 1 : i32
    scf.for %scan3A_89 = %scan3A to %scan3A_43 step %scan3A_44  : i32 {
      %mul3A_90 = arith.constant 6 : i32
      %mul3A_91 = arith.muli %scan3A_89, %mul3A_90 : i32
      %add3A = arith.constant 0 : i32
      %add3A_92 = arith.addi %add3A, %mul3A_91 : i32
      %add3A_93 = arith.constant 0 : i32
      %add3A_94 = arith.addi %add3A_92, %add3A_93 : i32
      %dma_wait3A_95 = arith.constant 0 : i32
      %dma_wait3A_96 = tpu.memref_slice %arg8[%add3A_94, %dma_wait3A_95] : memref<125x40xi32, #tpu.memory_space<vmem>> -> memref<1x40xi32, #tpu.memory_space<vmem>>
      %dma_wait3A_97 = tpu.memref_squeeze %dma_wait3A_96 : memref<1x40xi32, #tpu.memory_space<vmem>> -> memref<40xi32, #tpu.memory_space<vmem>>
      %dma_wait3A_98 = arith.constant 0 : i32
      %dma_wait3A_99 = arith.constant 0 : i32
      %dma_wait3A_100 = tpu.memref_slice %arg2[%dma_wait3A_98, %dma_wait3A_99] : memref<10000x48xf32, #tpu.memory_space<hbm>> -> memref<10000x48xf32, #tpu.memory_space<hbm>>
      tpu.wait_indirect_dma semaphore(%arg16 : memref<!tpu.dma_semaphore, #tpu.memory_space<semaphore_mem>>) src(%dma_wait3A_100 : memref<10000x48xf32, #tpu.memory_space<hbm>>) dst(%arg10 : memref<40x48xf32, #tpu.memory_space<vmem>>)
      %add3A_101 = arith.constant 6 : i32
      %add3A_102 = arith.addi %add3A_94, %add3A_101 : i32
      %lt3A = arith.constant 125 : i32
      %lt3A_103 = arith.cmpi slt, %add3A_102, %lt3A : i32
      %convert_element_type3A = arith.extui %lt3A_103 : i1 to i32
      %cond3A = arith.constant 0 : i32
      %cond3A_104 = arith.cmpi ne, %convert_element_type3A, %cond3A : i32
      scf.if %cond3A_104 {
        %dma_start3A_180 = arith.constant 0 : i32
        %dma_start3A_181 = tpu.memref_slice %arg8[%add3A_102, %dma_start3A_180] : memref<125x40xi32, #tpu.memory_space<vmem>> -> memref<1x40xi32, #tpu.memory_space<vmem>>
        %dma_start3A_182 = tpu.memref_squeeze %dma_start3A_181 : memref<1x40xi32, #tpu.memory_space<vmem>> -> memref<40xi32, #tpu.memory_space<vmem>>
        %dma_start3A_183 = arith.constant 0 : i32
        %dma_start3A_184 = arith.constant 0 : i32
        %dma_start3A_185 = tpu.memref_slice %arg2[%dma_start3A_183, %dma_start3A_184] : memref<10000x48xf32, #tpu.memory_space<hbm>> -> memref<10000x48xf32, #tpu.memory_space<hbm>>
        tpu.enqueue_indirect_dma source(%dma_start3A_185 : memref<10000x48xf32, #tpu.memory_space<hbm>>) target(%arg10 : memref<40x48xf32, #tpu.memory_space<vmem>>) offsets(%dma_start3A_182 : memref<40xi32, #tpu.memory_space<vmem>>) semaphore(%arg16 : memref<!tpu.dma_semaphore, #tpu.memory_space<semaphore_mem>>)
      } else {
      }
      "tpu.region"() ({
        %run_scoped3A_180 = tpu.sem_alloc : memref<!tpu.dma_semaphore, #tpu.memory_space<semaphore_mem>>
        %dma_start3A_181 = arith.constant 0 : i32
        %dma_start3A_182 = tpu.memref_slice %arg9[%add3A_94, %dma_start3A_181] : memref<125x40xi32, #tpu.memory_space<vmem>> -> memref<1x40xi32, #tpu.memory_space<vmem>>
        %dma_start3A_183 = tpu.memref_squeeze %dma_start3A_182 : memref<1x40xi32, #tpu.memory_space<vmem>> -> memref<40xi32, #tpu.memory_space<vmem>>
        %dma_start3A_184 = arith.constant 0 : i32
        %dma_start3A_185 = arith.constant 0 : i32
        %dma_start3A_186 = tpu.memref_slice %arg7[%dma_start3A_184, %dma_start3A_185] : memref<10000x48xf32, #tpu.memory_space<vmem_shared>> -> memref<10000x48xf32, #tpu.memory_space<vmem_shared>>
        tpu.enqueue_indirect_dma source(%arg10 : memref<40x48xf32, #tpu.memory_space<vmem>>) target(%dma_start3A_186 : memref<10000x48xf32, #tpu.memory_space<vmem_shared>>) offsets(%dma_start3A_183 : memref<40xi32, #tpu.memory_space<vmem>>) semaphore(%run_scoped3A_180 : memref<!tpu.dma_semaphore, #tpu.memory_space<semaphore_mem>>) {add = true}
        %dma_wait3A_187 = arith.constant 0 : i32
        %dma_wait3A_188 = tpu.memref_slice %arg9[%add3A_94, %dma_wait3A_187] : memref<125x40xi32, #tpu.memory_space<vmem>> -> memref<1x40xi32, #tpu.memory_space<vmem>>
        %dma_wait3A_189 = tpu.memref_squeeze %dma_wait3A_188 : memref<1x40xi32, #tpu.memory_space<vmem>> -> memref<40xi32, #tpu.memory_space<vmem>>
        %dma_wait3A_190 = arith.constant 0 : i32
        %dma_wait3A_191 = arith.constant 0 : i32
        %dma_wait3A_192 = tpu.memref_slice %arg7[%dma_wait3A_190, %dma_wait3A_191] : memref<10000x48xf32, #tpu.memory_space<vmem_shared>> -> memref<10000x48xf32, #tpu.memory_space<vmem_shared>>
        tpu.wait_indirect_dma semaphore(%run_scoped3A_180 : memref<!tpu.dma_semaphore, #tpu.memory_space<semaphore_mem>>) src(%arg10 : memref<40x48xf32, #tpu.memory_space<vmem>>) dst(%dma_wait3A_192 : memref<10000x48xf32, #tpu.memory_space<vmem_shared>>)
        tpu.yield
      }) : () -> ()
      %add3A_105 = arith.constant 1 : i32
      %add3A_106 = arith.addi %add3A_92, %add3A_105 : i32
      %dma_wait3A_107 = arith.constant 0 : i32
      %dma_wait3A_108 = tpu.memref_slice %arg8[%add3A_106, %dma_wait3A_107] : memref<125x40xi32, #tpu.memory_space<vmem>> -> memref<1x40xi32, #tpu.memory_space<vmem>>
      %dma_wait3A_109 = tpu.memref_squeeze %dma_wait3A_108 : memref<1x40xi32, #tpu.memory_space<vmem>> -> memref<40xi32, #tpu.memory_space<vmem>>
      %dma_wait3A_110 = arith.constant 0 : i32
      %dma_wait3A_111 = arith.constant 0 : i32
      %dma_wait3A_112 = tpu.memref_slice %arg2[%dma_wait3A_110, %dma_wait3A_111] : memref<10000x48xf32, #tpu.memory_space<hbm>> -> memref<10000x48xf32, #tpu.memory_space<hbm>>
      tpu.wait_indirect_dma semaphore(%arg17 : memref<!tpu.dma_semaphore, #tpu.memory_space<semaphore_mem>>) src(%dma_wait3A_112 : memref<10000x48xf32, #tpu.memory_space<hbm>>) dst(%arg11 : memref<40x48xf32, #tpu.memory_space<vmem>>)
      %add3A_113 = arith.constant 6 : i32
      %add3A_114 = arith.addi %add3A_106, %add3A_113 : i32
      %lt3A_115 = arith.constant 125 : i32
      %lt3A_116 = arith.cmpi slt, %add3A_114, %lt3A_115 : i32
      %convert_element_type3A_117 = arith.extui %lt3A_116 : i1 to i32
      %cond3A_118 = arith.constant 0 : i32
      %cond3A_119 = arith.cmpi ne, %convert_element_type3A_117, %cond3A_118 : i32
      scf.if %cond3A_119 {
        %dma_start3A_180 = arith.constant 0 : i32
        %dma_start3A_181 = tpu.memref_slice %arg8[%add3A_114, %dma_start3A_180] : memref<125x40xi32, #tpu.memory_space<vmem>> -> memref<1x40xi32, #tpu.memory_space<vmem>>
        %dma_start3A_182 = tpu.memref_squeeze %dma_start3A_181 : memref<1x40xi32, #tpu.memory_space<vmem>> -> memref<40xi32, #tpu.memory_space<vmem>>
        %dma_start3A_183 = arith.constant 0 : i32
        %dma_start3A_184 = arith.constant 0 : i32
        %dma_start3A_185 = tpu.memref_slice %arg2[%dma_start3A_183, %dma_start3A_184] : memref<10000x48xf32, #tpu.memory_space<hbm>> -> memref<10000x48xf32, #tpu.memory_space<hbm>>
        tpu.enqueue_indirect_dma source(%dma_start3A_185 : memref<10000x48xf32, #tpu.memory_space<hbm>>) target(%arg11 : memref<40x48xf32, #tpu.memory_space<vmem>>) offsets(%dma_start3A_182 : memref<40xi32, #tpu.memory_space<vmem>>) semaphore(%arg17 : memref<!tpu.dma_semaphore, #tpu.memory_space<semaphore_mem>>)
      } else {
      }
      "tpu.region"() ({
        %run_scoped3A_180 = tpu.sem_alloc : memref<!tpu.dma_semaphore, #tpu.memory_space<semaphore_mem>>
        %dma_start3A_181 = arith.constant 0 : i32
        %dma_start3A_182 = tpu.memref_slice %arg9[%add3A_106, %dma_start3A_181] : memref<125x40xi32, #tpu.memory_space<vmem>> -> memref<1x40xi32, #tpu.memory_space<vmem>>
        %dma_start3A_183 = tpu.memref_squeeze %dma_start3A_182 : memref<1x40xi32, #tpu.memory_space<vmem>> -> memref<40xi32, #tpu.memory_space<vmem>>
        %dma_start3A_184 = arith.constant 0 : i32
        %dma_start3A_185 = arith.constant 0 : i32
        %dma_start3A_186 = tpu.memref_slice %arg7[%dma_start3A_184, %dma_start3A_185] : memref<10000x48xf32, #tpu.memory_space<vmem_shared>> -> memref<10000x48xf32, #tpu.memory_space<vmem_shared>>
        tpu.enqueue_indirect_dma source(%arg11 : memref<40x48xf32, #tpu.memory_space<vmem>>) target(%dma_start3A_186 : memref<10000x48xf32, #tpu.memory_space<vmem_shared>>) offsets(%dma_start3A_183 : memref<40xi32, #tpu.memory_space<vmem>>) semaphore(%run_scoped3A_180 : memref<!tpu.dma_semaphore, #tpu.memory_space<semaphore_mem>>) {add = true}
        %dma_wait3A_187 = arith.constant 0 : i32
        %dma_wait3A_188 = tpu.memref_slice %arg9[%add3A_106, %dma_wait3A_187] : memref<125x40xi32, #tpu.memory_space<vmem>> -> memref<1x40xi32, #tpu.memory_space<vmem>>
        %dma_wait3A_189 = tpu.memref_squeeze %dma_wait3A_188 : memref<1x40xi32, #tpu.memory_space<vmem>> -> memref<40xi32, #tpu.memory_space<vmem>>
        %dma_wait3A_190 = arith.constant 0 : i32
        %dma_wait3A_191 = arith.constant 0 : i32
        %dma_wait3A_192 = tpu.memref_slice %arg7[%dma_wait3A_190, %dma_wait3A_191] : memref<10000x48xf32, #tpu.memory_space<vmem_shared>> -> memref<10000x48xf32, #tpu.memory_space<vmem_shared>>
        tpu.wait_indirect_dma semaphore(%run_scoped3A_180 : memref<!tpu.dma_semaphore, #tpu.memory_space<semaphore_mem>>) src(%arg11 : memref<40x48xf32, #tpu.memory_space<vmem>>) dst(%dma_wait3A_192 : memref<10000x48xf32, #tpu.memory_space<vmem_shared>>)
        tpu.yield
      }) : () -> ()
      %add3A_120 = arith.constant 2 : i32
      %add3A_121 = arith.addi %add3A_92, %add3A_120 : i32
      %dma_wait3A_122 = arith.constant 0 : i32
      %dma_wait3A_123 = tpu.memref_slice %arg8[%add3A_121, %dma_wait3A_122] : memref<125x40xi32, #tpu.memory_space<vmem>> -> memref<1x40xi32, #tpu.memory_space<vmem>>
      %dma_wait3A_124 = tpu.memref_squeeze %dma_wait3A_123 : memref<1x40xi32, #tpu.memory_space<vmem>> -> memref<40xi32, #tpu.memory_space<vmem>>
      %dma_wait3A_125 = arith.constant 0 : i32
      %dma_wait3A_126 = arith.constant 0 : i32
      %dma_wait3A_127 = tpu.memref_slice %arg2[%dma_wait3A_125, %dma_wait3A_126] : memref<10000x48xf32, #tpu.memory_space<hbm>> -> memref<10000x48xf32, #tpu.memory_space<hbm>>
      tpu.wait_indirect_dma semaphore(%arg18 : memref<!tpu.dma_semaphore, #tpu.memory_space<semaphore_mem>>) src(%dma_wait3A_127 : memref<10000x48xf32, #tpu.memory_space<hbm>>) dst(%arg12 : memref<40x48xf32, #tpu.memory_space<vmem>>)
      %add3A_128 = arith.constant 6 : i32
      %add3A_129 = arith.addi %add3A_121, %add3A_128 : i32
      %lt3A_130 = arith.constant 125 : i32
      %lt3A_131 = arith.cmpi slt, %add3A_129, %lt3A_130 : i32
      %convert_element_type3A_132 = arith.extui %lt3A_131 : i1 to i32
      %cond3A_133 = arith.constant 0 : i32
      %cond3A_134 = arith.cmpi ne, %convert_element_type3A_132, %cond3A_133 : i32
      scf.if %cond3A_134 {
        %dma_start3A_180 = arith.constant 0 : i32
        %dma_start3A_181 = tpu.memref_slice %arg8[%add3A_129, %dma_start3A_180] : memref<125x40xi32, #tpu.memory_space<vmem>> -> memref<1x40xi32, #tpu.memory_space<vmem>>
        %dma_start3A_182 = tpu.memref_squeeze %dma_start3A_181 : memref<1x40xi32, #tpu.memory_space<vmem>> -> memref<40xi32, #tpu.memory_space<vmem>>
        %dma_start3A_183 = arith.constant 0 : i32
        %dma_start3A_184 = arith.constant 0 : i32
        %dma_start3A_185 = tpu.memref_slice %arg2[%dma_start3A_183, %dma_start3A_184] : memref<10000x48xf32, #tpu.memory_space<hbm>> -> memref<10000x48xf32, #tpu.memory_space<hbm>>
        tpu.enqueue_indirect_dma source(%dma_start3A_185 : memref<10000x48xf32, #tpu.memory_space<hbm>>) target(%arg12 : memref<40x48xf32, #tpu.memory_space<vmem>>) offsets(%dma_start3A_182 : memref<40xi32, #tpu.memory_space<vmem>>) semaphore(%arg18 : memref<!tpu.dma_semaphore, #tpu.memory_space<semaphore_mem>>)
      } else {
      }
      "tpu.region"() ({
        %run_scoped3A_180 = tpu.sem_alloc : memref<!tpu.dma_semaphore, #tpu.memory_space<semaphore_mem>>
        %dma_start3A_181 = arith.constant 0 : i32
        %dma_start3A_182 = tpu.memref_slice %arg9[%add3A_121, %dma_start3A_181] : memref<125x40xi32, #tpu.memory_space<vmem>> -> memref<1x40xi32, #tpu.memory_space<vmem>>
        %dma_start3A_183 = tpu.memref_squeeze %dma_start3A_182 : memref<1x40xi32, #tpu.memory_space<vmem>> -> memref<40xi32, #tpu.memory_space<vmem>>
        %dma_start3A_184 = arith.constant 0 : i32
        %dma_start3A_185 = arith.constant 0 : i32
        %dma_start3A_186 = tpu.memref_slice %arg7[%dma_start3A_184, %dma_start3A_185] : memref<10000x48xf32, #tpu.memory_space<vmem_shared>> -> memref<10000x48xf32, #tpu.memory_space<vmem_shared>>
        tpu.enqueue_indirect_dma source(%arg12 : memref<40x48xf32, #tpu.memory_space<vmem>>) target(%dma_start3A_186 : memref<10000x48xf32, #tpu.memory_space<vmem_shared>>) offsets(%dma_start3A_183 : memref<40xi32, #tpu.memory_space<vmem>>) semaphore(%run_scoped3A_180 : memref<!tpu.dma_semaphore, #tpu.memory_space<semaphore_mem>>) {add = true}
        %dma_wait3A_187 = arith.constant 0 : i32
        %dma_wait3A_188 = tpu.memref_slice %arg9[%add3A_121, %dma_wait3A_187] : memref<125x40xi32, #tpu.memory_space<vmem>> -> memref<1x40xi32, #tpu.memory_space<vmem>>
        %dma_wait3A_189 = tpu.memref_squeeze %dma_wait3A_188 : memref<1x40xi32, #tpu.memory_space<vmem>> -> memref<40xi32, #tpu.memory_space<vmem>>
        %dma_wait3A_190 = arith.constant 0 : i32
        %dma_wait3A_191 = arith.constant 0 : i32
        %dma_wait3A_192 = tpu.memref_slice %arg7[%dma_wait3A_190, %dma_wait3A_191] : memref<10000x48xf32, #tpu.memory_space<vmem_shared>> -> memref<10000x48xf32, #tpu.memory_space<vmem_shared>>
        tpu.wait_indirect_dma semaphore(%run_scoped3A_180 : memref<!tpu.dma_semaphore, #tpu.memory_space<semaphore_mem>>) src(%arg12 : memref<40x48xf32, #tpu.memory_space<vmem>>) dst(%dma_wait3A_192 : memref<10000x48xf32, #tpu.memory_space<vmem_shared>>)
        tpu.yield
      }) : () -> ()
      %add3A_135 = arith.constant 3 : i32
      %add3A_136 = arith.addi %add3A_92, %add3A_135 : i32
      %dma_wait3A_137 = arith.constant 0 : i32
      %dma_wait3A_138 = tpu.memref_slice %arg8[%add3A_136, %dma_wait3A_137] : memref<125x40xi32, #tpu.memory_space<vmem>> -> memref<1x40xi32, #tpu.memory_space<vmem>>
      %dma_wait3A_139 = tpu.memref_squeeze %dma_wait3A_138 : memref<1x40xi32, #tpu.memory_space<vmem>> -> memref<40xi32, #tpu.memory_space<vmem>>
      %dma_wait3A_140 = arith.constant 0 : i32
      %dma_wait3A_141 = arith.constant 0 : i32
      %dma_wait3A_142 = tpu.memref_slice %arg2[%dma_wait3A_140, %dma_wait3A_141] : memref<10000x48xf32, #tpu.memory_space<hbm>> -> memref<10000x48xf32, #tpu.memory_space<hbm>>
      tpu.wait_indirect_dma semaphore(%arg19 : memref<!tpu.dma_semaphore, #tpu.memory_space<semaphore_mem>>) src(%dma_wait3A_142 : memref<10000x48xf32, #tpu.memory_space<hbm>>) dst(%arg13 : memref<40x48xf32, #tpu.memory_space<vmem>>)
      %add3A_143 = arith.constant 6 : i32
      %add3A_144 = arith.addi %add3A_136, %add3A_143 : i32
      %lt3A_145 = arith.constant 125 : i32
      %lt3A_146 = arith.cmpi slt, %add3A_144, %lt3A_145 : i32
      %convert_element_type3A_147 = arith.extui %lt3A_146 : i1 to i32
      %cond3A_148 = arith.constant 0 : i32
      %cond3A_149 = arith.cmpi ne, %convert_element_type3A_147, %cond3A_148 : i32
      scf.if %cond3A_149 {
        %dma_start3A_180 = arith.constant 0 : i32
        %dma_start3A_181 = tpu.memref_slice %arg8[%add3A_144, %dma_start3A_180] : memref<125x40xi32, #tpu.memory_space<vmem>> -> memref<1x40xi32, #tpu.memory_space<vmem>>
        %dma_start3A_182 = tpu.memref_squeeze %dma_start3A_181 : memref<1x40xi32, #tpu.memory_space<vmem>> -> memref<40xi32, #tpu.memory_space<vmem>>
        %dma_start3A_183 = arith.constant 0 : i32
        %dma_start3A_184 = arith.constant 0 : i32
        %dma_start3A_185 = tpu.memref_slice %arg2[%dma_start3A_183, %dma_start3A_184] : memref<10000x48xf32, #tpu.memory_space<hbm>> -> memref<10000x48xf32, #tpu.memory_space<hbm>>
        tpu.enqueue_indirect_dma source(%dma_start3A_185 : memref<10000x48xf32, #tpu.memory_space<hbm>>) target(%arg13 : memref<40x48xf32, #tpu.memory_space<vmem>>) offsets(%dma_start3A_182 : memref<40xi32, #tpu.memory_space<vmem>>) semaphore(%arg19 : memref<!tpu.dma_semaphore, #tpu.memory_space<semaphore_mem>>)
      } else {
      }
      "tpu.region"() ({
        %run_scoped3A_180 = tpu.sem_alloc : memref<!tpu.dma_semaphore, #tpu.memory_space<semaphore_mem>>
        %dma_start3A_181 = arith.constant 0 : i32
        %dma_start3A_182 = tpu.memref_slice %arg9[%add3A_136, %dma_start3A_181] : memref<125x40xi32, #tpu.memory_space<vmem>> -> memref<1x40xi32, #tpu.memory_space<vmem>>
        %dma_start3A_183 = tpu.memref_squeeze %dma_start3A_182 : memref<1x40xi32, #tpu.memory_space<vmem>> -> memref<40xi32, #tpu.memory_space<vmem>>
        %dma_start3A_184 = arith.constant 0 : i32
        %dma_start3A_185 = arith.constant 0 : i32
        %dma_start3A_186 = tpu.memref_slice %arg7[%dma_start3A_184, %dma_start3A_185] : memref<10000x48xf32, #tpu.memory_space<vmem_shared>> -> memref<10000x48xf32, #tpu.memory_space<vmem_shared>>
        tpu.enqueue_indirect_dma source(%arg13 : memref<40x48xf32, #tpu.memory_space<vmem>>) target(%dma_start3A_186 : memref<10000x48xf32, #tpu.memory_space<vmem_shared>>) offsets(%dma_start3A_183 : memref<40xi32, #tpu.memory_space<vmem>>) semaphore(%run_scoped3A_180 : memref<!tpu.dma_semaphore, #tpu.memory_space<semaphore_mem>>) {add = true}
        %dma_wait3A_187 = arith.constant 0 : i32
        %dma_wait3A_188 = tpu.memref_slice %arg9[%add3A_136, %dma_wait3A_187] : memref<125x40xi32, #tpu.memory_space<vmem>> -> memref<1x40xi32, #tpu.memory_space<vmem>>
        %dma_wait3A_189 = tpu.memref_squeeze %dma_wait3A_188 : memref<1x40xi32, #tpu.memory_space<vmem>> -> memref<40xi32, #tpu.memory_space<vmem>>
        %dma_wait3A_190 = arith.constant 0 : i32
        %dma_wait3A_191 = arith.constant 0 : i32
        %dma_wait3A_192 = tpu.memref_slice %arg7[%dma_wait3A_190, %dma_wait3A_191] : memref<10000x48xf32, #tpu.memory_space<vmem_shared>> -> memref<10000x48xf32, #tpu.memory_space<vmem_shared>>
        tpu.wait_indirect_dma semaphore(%run_scoped3A_180 : memref<!tpu.dma_semaphore, #tpu.memory_space<semaphore_mem>>) src(%arg13 : memref<40x48xf32, #tpu.memory_space<vmem>>) dst(%dma_wait3A_192 : memref<10000x48xf32, #tpu.memory_space<vmem_shared>>)
        tpu.yield
      }) : () -> ()
      %add3A_150 = arith.constant 4 : i32
      %add3A_151 = arith.addi %add3A_92, %add3A_150 : i32
      %dma_wait3A_152 = arith.constant 0 : i32
      %dma_wait3A_153 = tpu.memref_slice %arg8[%add3A_151, %dma_wait3A_152] : memref<125x40xi32, #tpu.memory_space<vmem>> -> memref<1x40xi32, #tpu.memory_space<vmem>>
      %dma_wait3A_154 = tpu.memref_squeeze %dma_wait3A_153 : memref<1x40xi32, #tpu.memory_space<vmem>> -> memref<40xi32, #tpu.memory_space<vmem>>
      %dma_wait3A_155 = arith.constant 0 : i32
      %dma_wait3A_156 = arith.constant 0 : i32
      %dma_wait3A_157 = tpu.memref_slice %arg2[%dma_wait3A_155, %dma_wait3A_156] : memref<10000x48xf32, #tpu.memory_space<hbm>> -> memref<10000x48xf32, #tpu.memory_space<hbm>>
      tpu.wait_indirect_dma semaphore(%arg20 : memref<!tpu.dma_semaphore, #tpu.memory_space<semaphore_mem>>) src(%dma_wait3A_157 : memref<10000x48xf32, #tpu.memory_space<hbm>>) dst(%arg14 : memref<40x48xf32, #tpu.memory_space<vmem>>)
      %add3A_158 = arith.constant 6 : i32
      %add3A_159 = arith.addi %add3A_151, %add3A_158 : i32
      %lt3A_160 = arith.constant 125 : i32
      %lt3A_161 = arith.cmpi slt, %add3A_159, %lt3A_160 : i32
      %convert_element_type3A_162 = arith.extui %lt3A_161 : i1 to i32
      %cond3A_163 = arith.constant 0 : i32
      %cond3A_164 = arith.cmpi ne, %convert_element_type3A_162, %cond3A_163 : i32
      scf.if %cond3A_164 {
        %dma_start3A_180 = arith.constant 0 : i32
        %dma_start3A_181 = tpu.memref_slice %arg8[%add3A_159, %dma_start3A_180] : memref<125x40xi32, #tpu.memory_space<vmem>> -> memref<1x40xi32, #tpu.memory_space<vmem>>
        %dma_start3A_182 = tpu.memref_squeeze %dma_start3A_181 : memref<1x40xi32, #tpu.memory_space<vmem>> -> memref<40xi32, #tpu.memory_space<vmem>>
        %dma_start3A_183 = arith.constant 0 : i32
        %dma_start3A_184 = arith.constant 0 : i32
        %dma_start3A_185 = tpu.memref_slice %arg2[%dma_start3A_183, %dma_start3A_184] : memref<10000x48xf32, #tpu.memory_space<hbm>> -> memref<10000x48xf32, #tpu.memory_space<hbm>>
        tpu.enqueue_indirect_dma source(%dma_start3A_185 : memref<10000x48xf32, #tpu.memory_space<hbm>>) target(%arg14 : memref<40x48xf32, #tpu.memory_space<vmem>>) offsets(%dma_start3A_182 : memref<40xi32, #tpu.memory_space<vmem>>) semaphore(%arg20 : memref<!tpu.dma_semaphore, #tpu.memory_space<semaphore_mem>>)
      } else {
      }
      "tpu.region"() ({
        %run_scoped3A_180 = tpu.sem_alloc : memref<!tpu.dma_semaphore, #tpu.memory_space<semaphore_mem>>
        %dma_start3A_181 = arith.constant 0 : i32
        %dma_start3A_182 = tpu.memref_slice %arg9[%add3A_151, %dma_start3A_181] : memref<125x40xi32, #tpu.memory_space<vmem>> -> memref<1x40xi32, #tpu.memory_space<vmem>>
        %dma_start3A_183 = tpu.memref_squeeze %dma_start3A_182 : memref<1x40xi32, #tpu.memory_space<vmem>> -> memref<40xi32, #tpu.memory_space<vmem>>
        %dma_start3A_184 = arith.constant 0 : i32
        %dma_start3A_185 = arith.constant 0 : i32
        %dma_start3A_186 = tpu.memref_slice %arg7[%dma_start3A_184, %dma_start3A_185] : memref<10000x48xf32, #tpu.memory_space<vmem_shared>> -> memref<10000x48xf32, #tpu.memory_space<vmem_shared>>
        tpu.enqueue_indirect_dma source(%arg14 : memref<40x48xf32, #tpu.memory_space<vmem>>) target(%dma_start3A_186 : memref<10000x48xf32, #tpu.memory_space<vmem_shared>>) offsets(%dma_start3A_183 : memref<40xi32, #tpu.memory_space<vmem>>) semaphore(%run_scoped3A_180 : memref<!tpu.dma_semaphore, #tpu.memory_space<semaphore_mem>>) {add = true}
        %dma_wait3A_187 = arith.constant 0 : i32
        %dma_wait3A_188 = tpu.memref_slice %arg9[%add3A_151, %dma_wait3A_187] : memref<125x40xi32, #tpu.memory_space<vmem>> -> memref<1x40xi32, #tpu.memory_space<vmem>>
        %dma_wait3A_189 = tpu.memref_squeeze %dma_wait3A_188 : memref<1x40xi32, #tpu.memory_space<vmem>> -> memref<40xi32, #tpu.memory_space<vmem>>
        %dma_wait3A_190 = arith.constant 0 : i32
        %dma_wait3A_191 = arith.constant 0 : i32
        %dma_wait3A_192 = tpu.memref_slice %arg7[%dma_wait3A_190, %dma_wait3A_191] : memref<10000x48xf32, #tpu.memory_space<vmem_shared>> -> memref<10000x48xf32, #tpu.memory_space<vmem_shared>>
        tpu.wait_indirect_dma semaphore(%run_scoped3A_180 : memref<!tpu.dma_semaphore, #tpu.memory_space<semaphore_mem>>) src(%arg14 : memref<40x48xf32, #tpu.memory_space<vmem>>) dst(%dma_wait3A_192 : memref<10000x48xf32, #tpu.memory_space<vmem_shared>>)
        tpu.yield
      }) : () -> ()
      %add3A_165 = arith.constant 5 : i32
      %add3A_166 = arith.addi %add3A_92, %add3A_165 : i32
      %dma_wait3A_167 = arith.constant 0 : i32
      %dma_wait3A_168 = tpu.memref_slice %arg8[%add3A_166, %dma_wait3A_167] : memref<125x40xi32, #tpu.memory_space<vmem>> -> memref<1x40xi32, #tpu.memory_space<vmem>>
      %dma_wait3A_169 = tpu.memref_squeeze %dma_wait3A_168 : memref<1x40xi32, #tpu.memory_space<vmem>> -> memref<40xi32, #tpu.memory_space<vmem>>
      %dma_wait3A_170 = arith.constant 0 : i32
      %dma_wait3A_171 = arith.constant 0 : i32
      %dma_wait3A_172 = tpu.memref_slice %arg2[%dma_wait3A_170, %dma_wait3A_171] : memref<10000x48xf32, #tpu.memory_space<hbm>> -> memref<10000x48xf32, #tpu.memory_space<hbm>>
      tpu.wait_indirect_dma semaphore(%arg21 : memref<!tpu.dma_semaphore, #tpu.memory_space<semaphore_mem>>) src(%dma_wait3A_172 : memref<10000x48xf32, #tpu.memory_space<hbm>>) dst(%arg15 : memref<40x48xf32, #tpu.memory_space<vmem>>)
      %add3A_173 = arith.constant 6 : i32
      %add3A_174 = arith.addi %add3A_166, %add3A_173 : i32
      %lt3A_175 = arith.constant 125 : i32
      %lt3A_176 = arith.cmpi slt, %add3A_174, %lt3A_175 : i32
      %convert_element_type3A_177 = arith.extui %lt3A_176 : i1 to i32
      %cond3A_178 = arith.constant 0 : i32
      %cond3A_179 = arith.cmpi ne, %convert_element_type3A_177, %cond3A_178 : i32
      scf.if %cond3A_179 {
        %dma_start3A_180 = arith.constant 0 : i32
        %dma_start3A_181 = tpu.memref_slice %arg8[%add3A_174, %dma_start3A_180] : memref<125x40xi32, #tpu.memory_space<vmem>> -> memref<1x40xi32, #tpu.memory_space<vmem>>
        %dma_start3A_182 = tpu.memref_squeeze %dma_start3A_181 : memref<1x40xi32, #tpu.memory_space<vmem>> -> memref<40xi32, #tpu.memory_space<vmem>>
        %dma_start3A_183 = arith.constant 0 : i32
        %dma_start3A_184 = arith.constant 0 : i32
        %dma_start3A_185 = tpu.memref_slice %arg2[%dma_start3A_183, %dma_start3A_184] : memref<10000x48xf32, #tpu.memory_space<hbm>> -> memref<10000x48xf32, #tpu.memory_space<hbm>>
        tpu.enqueue_indirect_dma source(%dma_start3A_185 : memref<10000x48xf32, #tpu.memory_space<hbm>>) target(%arg15 : memref<40x48xf32, #tpu.memory_space<vmem>>) offsets(%dma_start3A_182 : memref<40xi32, #tpu.memory_space<vmem>>) semaphore(%arg21 : memref<!tpu.dma_semaphore, #tpu.memory_space<semaphore_mem>>)
      } else {
      }
      "tpu.region"() ({
        %run_scoped3A_180 = tpu.sem_alloc : memref<!tpu.dma_semaphore, #tpu.memory_space<semaphore_mem>>
        %dma_start3A_181 = arith.constant 0 : i32
        %dma_start3A_182 = tpu.memref_slice %arg9[%add3A_166, %dma_start3A_181] : memref<125x40xi32, #tpu.memory_space<vmem>> -> memref<1x40xi32, #tpu.memory_space<vmem>>
        %dma_start3A_183 = tpu.memref_squeeze %dma_start3A_182 : memref<1x40xi32, #tpu.memory_space<vmem>> -> memref<40xi32, #tpu.memory_space<vmem>>
        %dma_start3A_184 = arith.constant 0 : i32
        %dma_start3A_185 = arith.constant 0 : i32
        %dma_start3A_186 = tpu.memref_slice %arg7[%dma_start3A_184, %dma_start3A_185] : memref<10000x48xf32, #tpu.memory_space<vmem_shared>> -> memref<10000x48xf32, #tpu.memory_space<vmem_shared>>
        tpu.enqueue_indirect_dma source(%arg15 : memref<40x48xf32, #tpu.memory_space<vmem>>) target(%dma_start3A_186 : memref<10000x48xf32, #tpu.memory_space<vmem_shared>>) offsets(%dma_start3A_183 : memref<40xi32, #tpu.memory_space<vmem>>) semaphore(%run_scoped3A_180 : memref<!tpu.dma_semaphore, #tpu.memory_space<semaphore_mem>>) {add = true}
        %dma_wait3A_187 = arith.constant 0 : i32
        %dma_wait3A_188 = tpu.memref_slice %arg9[%add3A_166, %dma_wait3A_187] : memref<125x40xi32, #tpu.memory_space<vmem>> -> memref<1x40xi32, #tpu.memory_space<vmem>>
        %dma_wait3A_189 = tpu.memref_squeeze %dma_wait3A_188 : memref<1x40xi32, #tpu.memory_space<vmem>> -> memref<40xi32, #tpu.memory_space<vmem>>
        %dma_wait3A_190 = arith.constant 0 : i32
        %dma_wait3A_191 = arith.constant 0 : i32
        %dma_wait3A_192 = tpu.memref_slice %arg7[%dma_wait3A_190, %dma_wait3A_191] : memref<10000x48xf32, #tpu.memory_space<vmem_shared>> -> memref<10000x48xf32, #tpu.memory_space<vmem_shared>>
        tpu.wait_indirect_dma semaphore(%run_scoped3A_180 : memref<!tpu.dma_semaphore, #tpu.memory_space<semaphore_mem>>) src(%arg15 : memref<40x48xf32, #tpu.memory_space<vmem>>) dst(%dma_wait3A_192 : memref<10000x48xf32, #tpu.memory_space<vmem_shared>>)
        tpu.yield
      }) : () -> ()
    }
    %scan3A_45 = arith.constant 20 : i32
    %dma_wait3A = arith.constant 120 : i32
    %dma_wait3A_46 = arith.constant 0 : i32
    %dma_wait3A_47 = tpu.memref_slice %arg8[%dma_wait3A, %dma_wait3A_46] : memref<125x40xi32, #tpu.memory_space<vmem>> -> memref<1x40xi32, #tpu.memory_space<vmem>>
    %dma_wait3A_48 = tpu.memref_squeeze %dma_wait3A_47 : memref<1x40xi32, #tpu.memory_space<vmem>> -> memref<40xi32, #tpu.memory_space<vmem>>
    %dma_wait3A_49 = arith.constant 0 : i32
    %dma_wait3A_50 = arith.constant 0 : i32
    %dma_wait3A_51 = tpu.memref_slice %arg2[%dma_wait3A_49, %dma_wait3A_50] : memref<10000x48xf32, #tpu.memory_space<hbm>> -> memref<10000x48xf32, #tpu.memory_space<hbm>>
    tpu.wait_indirect_dma semaphore(%arg16 : memref<!tpu.dma_semaphore, #tpu.memory_space<semaphore_mem>>) src(%dma_wait3A_51 : memref<10000x48xf32, #tpu.memory_space<hbm>>) dst(%arg10 : memref<40x48xf32, #tpu.memory_space<vmem>>)
    %run_scoped3A = arith.constant 120 : i32
    "tpu.region"() ({
      %run_scoped3A_89 = tpu.sem_alloc : memref<!tpu.dma_semaphore, #tpu.memory_space<semaphore_mem>>
      %dma_start3A_90 = arith.constant 0 : i32
      %dma_start3A_91 = tpu.memref_slice %arg9[%run_scoped3A, %dma_start3A_90] : memref<125x40xi32, #tpu.memory_space<vmem>> -> memref<1x40xi32, #tpu.memory_space<vmem>>
      %dma_start3A_92 = tpu.memref_squeeze %dma_start3A_91 : memref<1x40xi32, #tpu.memory_space<vmem>> -> memref<40xi32, #tpu.memory_space<vmem>>
      %dma_start3A_93 = arith.constant 0 : i32
      %dma_start3A_94 = arith.constant 0 : i32
      %dma_start3A_95 = tpu.memref_slice %arg7[%dma_start3A_93, %dma_start3A_94] : memref<10000x48xf32, #tpu.memory_space<vmem_shared>> -> memref<10000x48xf32, #tpu.memory_space<vmem_shared>>
      tpu.enqueue_indirect_dma source(%arg10 : memref<40x48xf32, #tpu.memory_space<vmem>>) target(%dma_start3A_95 : memref<10000x48xf32, #tpu.memory_space<vmem_shared>>) offsets(%dma_start3A_92 : memref<40xi32, #tpu.memory_space<vmem>>) semaphore(%run_scoped3A_89 : memref<!tpu.dma_semaphore, #tpu.memory_space<semaphore_mem>>) {add = true}
      %dma_wait3A_96 = arith.constant 0 : i32
      %dma_wait3A_97 = tpu.memref_slice %arg9[%run_scoped3A, %dma_wait3A_96] : memref<125x40xi32, #tpu.memory_space<vmem>> -> memref<1x40xi32, #tpu.memory_space<vmem>>
      %dma_wait3A_98 = tpu.memref_squeeze %dma_wait3A_97 : memref<1x40xi32, #tpu.memory_space<vmem>> -> memref<40xi32, #tpu.memory_space<vmem>>
      %dma_wait3A_99 = arith.constant 0 : i32
      %dma_wait3A_100 = arith.constant 0 : i32
      %dma_wait3A_101 = tpu.memref_slice %arg7[%dma_wait3A_99, %dma_wait3A_100] : memref<10000x48xf32, #tpu.memory_space<vmem_shared>> -> memref<10000x48xf32, #tpu.memory_space<vmem_shared>>
      tpu.wait_indirect_dma semaphore(%run_scoped3A_89 : memref<!tpu.dma_semaphore, #tpu.memory_space<semaphore_mem>>) src(%arg10 : memref<40x48xf32, #tpu.memory_space<vmem>>) dst(%dma_wait3A_101 : memref<10000x48xf32, #tpu.memory_space<vmem_shared>>)
      tpu.yield
    }) : () -> ()
    %dma_wait3A_52 = arith.constant 121 : i32
    %dma_wait3A_53 = arith.constant 0 : i32
    %dma_wait3A_54 = tpu.memref_slice %arg8[%dma_wait3A_52, %dma_wait3A_53] : memref<125x40xi32, #tpu.memory_space<vmem>> -> memref<1x40xi32, #tpu.memory_space<vmem>>
    %dma_wait3A_55 = tpu.memref_squeeze %dma_wait3A_54 : memref<1x40xi32, #tpu.memory_space<vmem>> -> memref<40xi32, #tpu.memory_space<vmem>>
    %dma_wait3A_56 = arith.constant 0 : i32
    %dma_wait3A_57 = arith.constant 0 : i32
    %dma_wait3A_58 = tpu.memref_slice %arg2[%dma_wait3A_56, %dma_wait3A_57] : memref<10000x48xf32, #tpu.memory_space<hbm>> -> memref<10000x48xf32, #tpu.memory_space<hbm>>
    tpu.wait_indirect_dma semaphore(%arg17 : memref<!tpu.dma_semaphore, #tpu.memory_space<semaphore_mem>>) src(%dma_wait3A_58 : memref<10000x48xf32, #tpu.memory_space<hbm>>) dst(%arg11 : memref<40x48xf32, #tpu.memory_space<vmem>>)
    %run_scoped3A_59 = arith.constant 121 : i32
    "tpu.region"() ({
      %run_scoped3A_89 = tpu.sem_alloc : memref<!tpu.dma_semaphore, #tpu.memory_space<semaphore_mem>>
      %dma_start3A_90 = arith.constant 0 : i32
      %dma_start3A_91 = tpu.memref_slice %arg9[%run_scoped3A_59, %dma_start3A_90] : memref<125x40xi32, #tpu.memory_space<vmem>> -> memref<1x40xi32, #tpu.memory_space<vmem>>
      %dma_start3A_92 = tpu.memref_squeeze %dma_start3A_91 : memref<1x40xi32, #tpu.memory_space<vmem>> -> memref<40xi32, #tpu.memory_space<vmem>>
      %dma_start3A_93 = arith.constant 0 : i32
      %dma_start3A_94 = arith.constant 0 : i32
      %dma_start3A_95 = tpu.memref_slice %arg7[%dma_start3A_93, %dma_start3A_94] : memref<10000x48xf32, #tpu.memory_space<vmem_shared>> -> memref<10000x48xf32, #tpu.memory_space<vmem_shared>>
      tpu.enqueue_indirect_dma source(%arg11 : memref<40x48xf32, #tpu.memory_space<vmem>>) target(%dma_start3A_95 : memref<10000x48xf32, #tpu.memory_space<vmem_shared>>) offsets(%dma_start3A_92 : memref<40xi32, #tpu.memory_space<vmem>>) semaphore(%run_scoped3A_89 : memref<!tpu.dma_semaphore, #tpu.memory_space<semaphore_mem>>) {add = true}
      %dma_wait3A_96 = arith.constant 0 : i32
      %dma_wait3A_97 = tpu.memref_slice %arg9[%run_scoped3A_59, %dma_wait3A_96] : memref<125x40xi32, #tpu.memory_space<vmem>> -> memref<1x40xi32, #tpu.memory_space<vmem>>
      %dma_wait3A_98 = tpu.memref_squeeze %dma_wait3A_97 : memref<1x40xi32, #tpu.memory_space<vmem>> -> memref<40xi32, #tpu.memory_space<vmem>>
      %dma_wait3A_99 = arith.constant 0 : i32
      %dma_wait3A_100 = arith.constant 0 : i32
      %dma_wait3A_101 = tpu.memref_slice %arg7[%dma_wait3A_99, %dma_wait3A_100] : memref<10000x48xf32, #tpu.memory_space<vmem_shared>> -> memref<10000x48xf32, #tpu.memory_space<vmem_shared>>
      tpu.wait_indirect_dma semaphore(%run_scoped3A_89 : memref<!tpu.dma_semaphore, #tpu.memory_space<semaphore_mem>>) src(%arg11 : memref<40x48xf32, #tpu.memory_space<vmem>>) dst(%dma_wait3A_101 : memref<10000x48xf32, #tpu.memory_space<vmem_shared>>)
      tpu.yield
    }) : () -> ()
    %dma_wait3A_60 = arith.constant 122 : i32
    %dma_wait3A_61 = arith.constant 0 : i32
    %dma_wait3A_62 = tpu.memref_slice %arg8[%dma_wait3A_60, %dma_wait3A_61] : memref<125x40xi32, #tpu.memory_space<vmem>> -> memref<1x40xi32, #tpu.memory_space<vmem>>
    %dma_wait3A_63 = tpu.memref_squeeze %dma_wait3A_62 : memref<1x40xi32, #tpu.memory_space<vmem>> -> memref<40xi32, #tpu.memory_space<vmem>>
    %dma_wait3A_64 = arith.constant 0 : i32
    %dma_wait3A_65 = arith.constant 0 : i32
    %dma_wait3A_66 = tpu.memref_slice %arg2[%dma_wait3A_64, %dma_wait3A_65] : memref<10000x48xf32, #tpu.memory_space<hbm>> -> memref<10000x48xf32, #tpu.memory_space<hbm>>
    tpu.wait_indirect_dma semaphore(%arg18 : memref<!tpu.dma_semaphore, #tpu.memory_space<semaphore_mem>>) src(%dma_wait3A_66 : memref<10000x48xf32, #tpu.memory_space<hbm>>) dst(%arg12 : memref<40x48xf32, #tpu.memory_space<vmem>>)
    %run_scoped3A_67 = arith.constant 122 : i32
    "tpu.region"() ({
      %run_scoped3A_89 = tpu.sem_alloc : memref<!tpu.dma_semaphore, #tpu.memory_space<semaphore_mem>>
      %dma_start3A_90 = arith.constant 0 : i32
      %dma_start3A_91 = tpu.memref_slice %arg9[%run_scoped3A_67, %dma_start3A_90] : memref<125x40xi32, #tpu.memory_space<vmem>> -> memref<1x40xi32, #tpu.memory_space<vmem>>
      %dma_start3A_92 = tpu.memref_squeeze %dma_start3A_91 : memref<1x40xi32, #tpu.memory_space<vmem>> -> memref<40xi32, #tpu.memory_space<vmem>>
      %dma_start3A_93 = arith.constant 0 : i32
      %dma_start3A_94 = arith.constant 0 : i32
      %dma_start3A_95 = tpu.memref_slice %arg7[%dma_start3A_93, %dma_start3A_94] : memref<10000x48xf32, #tpu.memory_space<vmem_shared>> -> memref<10000x48xf32, #tpu.memory_space<vmem_shared>>
      tpu.enqueue_indirect_dma source(%arg12 : memref<40x48xf32, #tpu.memory_space<vmem>>) target(%dma_start3A_95 : memref<10000x48xf32, #tpu.memory_space<vmem_shared>>) offsets(%dma_start3A_92 : memref<40xi32, #tpu.memory_space<vmem>>) semaphore(%run_scoped3A_89 : memref<!tpu.dma_semaphore, #tpu.memory_space<semaphore_mem>>) {add = true}
      %dma_wait3A_96 = arith.constant 0 : i32
      %dma_wait3A_97 = tpu.memref_slice %arg9[%run_scoped3A_67, %dma_wait3A_96] : memref<125x40xi32, #tpu.memory_space<vmem>> -> memref<1x40xi32, #tpu.memory_space<vmem>>
      %dma_wait3A_98 = tpu.memref_squeeze %dma_wait3A_97 : memref<1x40xi32, #tpu.memory_space<vmem>> -> memref<40xi32, #tpu.memory_space<vmem>>
      %dma_wait3A_99 = arith.constant 0 : i32
      %dma_wait3A_100 = arith.constant 0 : i32
      %dma_wait3A_101 = tpu.memref_slice %arg7[%dma_wait3A_99, %dma_wait3A_100] : memref<10000x48xf32, #tpu.memory_space<vmem_shared>> -> memref<10000x48xf32, #tpu.memory_space<vmem_shared>>
      tpu.wait_indirect_dma semaphore(%run_scoped3A_89 : memref<!tpu.dma_semaphore, #tpu.memory_space<semaphore_mem>>) src(%arg12 : memref<40x48xf32, #tpu.memory_space<vmem>>) dst(%dma_wait3A_101 : memref<10000x48xf32, #tpu.memory_space<vmem_shared>>)
      tpu.yield
    }) : () -> ()
    %dma_wait3A_68 = arith.constant 123 : i32
    %dma_wait3A_69 = arith.constant 0 : i32
    %dma_wait3A_70 = tpu.memref_slice %arg8[%dma_wait3A_68, %dma_wait3A_69] : memref<125x40xi32, #tpu.memory_space<vmem>> -> memref<1x40xi32, #tpu.memory_space<vmem>>
    %dma_wait3A_71 = tpu.memref_squeeze %dma_wait3A_70 : memref<1x40xi32, #tpu.memory_space<vmem>> -> memref<40xi32, #tpu.memory_space<vmem>>
    %dma_wait3A_72 = arith.constant 0 : i32
    %dma_wait3A_73 = arith.constant 0 : i32
    %dma_wait3A_74 = tpu.memref_slice %arg2[%dma_wait3A_72, %dma_wait3A_73] : memref<10000x48xf32, #tpu.memory_space<hbm>> -> memref<10000x48xf32, #tpu.memory_space<hbm>>
    tpu.wait_indirect_dma semaphore(%arg19 : memref<!tpu.dma_semaphore, #tpu.memory_space<semaphore_mem>>) src(%dma_wait3A_74 : memref<10000x48xf32, #tpu.memory_space<hbm>>) dst(%arg13 : memref<40x48xf32, #tpu.memory_space<vmem>>)
    %run_scoped3A_75 = arith.constant 123 : i32
    "tpu.region"() ({
      %run_scoped3A_89 = tpu.sem_alloc : memref<!tpu.dma_semaphore, #tpu.memory_space<semaphore_mem>>
      %dma_start3A_90 = arith.constant 0 : i32
      %dma_start3A_91 = tpu.memref_slice %arg9[%run_scoped3A_75, %dma_start3A_90] : memref<125x40xi32, #tpu.memory_space<vmem>> -> memref<1x40xi32, #tpu.memory_space<vmem>>
      %dma_start3A_92 = tpu.memref_squeeze %dma_start3A_91 : memref<1x40xi32, #tpu.memory_space<vmem>> -> memref<40xi32, #tpu.memory_space<vmem>>
      %dma_start3A_93 = arith.constant 0 : i32
      %dma_start3A_94 = arith.constant 0 : i32
      %dma_start3A_95 = tpu.memref_slice %arg7[%dma_start3A_93, %dma_start3A_94] : memref<10000x48xf32, #tpu.memory_space<vmem_shared>> -> memref<10000x48xf32, #tpu.memory_space<vmem_shared>>
      tpu.enqueue_indirect_dma source(%arg13 : memref<40x48xf32, #tpu.memory_space<vmem>>) target(%dma_start3A_95 : memref<10000x48xf32, #tpu.memory_space<vmem_shared>>) offsets(%dma_start3A_92 : memref<40xi32, #tpu.memory_space<vmem>>) semaphore(%run_scoped3A_89 : memref<!tpu.dma_semaphore, #tpu.memory_space<semaphore_mem>>) {add = true}
      %dma_wait3A_96 = arith.constant 0 : i32
      %dma_wait3A_97 = tpu.memref_slice %arg9[%run_scoped3A_75, %dma_wait3A_96] : memref<125x40xi32, #tpu.memory_space<vmem>> -> memref<1x40xi32, #tpu.memory_space<vmem>>
      %dma_wait3A_98 = tpu.memref_squeeze %dma_wait3A_97 : memref<1x40xi32, #tpu.memory_space<vmem>> -> memref<40xi32, #tpu.memory_space<vmem>>
      %dma_wait3A_99 = arith.constant 0 : i32
      %dma_wait3A_100 = arith.constant 0 : i32
      %dma_wait3A_101 = tpu.memref_slice %arg7[%dma_wait3A_99, %dma_wait3A_100] : memref<10000x48xf32, #tpu.memory_space<vmem_shared>> -> memref<10000x48xf32, #tpu.memory_space<vmem_shared>>
      tpu.wait_indirect_dma semaphore(%run_scoped3A_89 : memref<!tpu.dma_semaphore, #tpu.memory_space<semaphore_mem>>) src(%arg13 : memref<40x48xf32, #tpu.memory_space<vmem>>) dst(%dma_wait3A_101 : memref<10000x48xf32, #tpu.memory_space<vmem_shared>>)
      tpu.yield
    }) : () -> ()
    %dma_wait3A_76 = arith.constant 124 : i32
    %dma_wait3A_77 = arith.constant 0 : i32
    %dma_wait3A_78 = tpu.memref_slice %arg8[%dma_wait3A_76, %dma_wait3A_77] : memref<125x40xi32, #tpu.memory_space<vmem>> -> memref<1x40xi32, #tpu.memory_space<vmem>>
    %dma_wait3A_79 = tpu.memref_squeeze %dma_wait3A_78 : memref<1x40xi32, #tpu.memory_space<vmem>> -> memref<40xi32, #tpu.memory_space<vmem>>
    %dma_wait3A_80 = arith.constant 0 : i32
    %dma_wait3A_81 = arith.constant 0 : i32
    %dma_wait3A_82 = tpu.memref_slice %arg2[%dma_wait3A_80, %dma_wait3A_81] : memref<10000x48xf32, #tpu.memory_space<hbm>> -> memref<10000x48xf32, #tpu.memory_space<hbm>>
    tpu.wait_indirect_dma semaphore(%arg20 : memref<!tpu.dma_semaphore, #tpu.memory_space<semaphore_mem>>) src(%dma_wait3A_82 : memref<10000x48xf32, #tpu.memory_space<hbm>>) dst(%arg14 : memref<40x48xf32, #tpu.memory_space<vmem>>)
    %run_scoped3A_83 = arith.constant 124 : i32
    "tpu.region"() ({
      %run_scoped3A_89 = tpu.sem_alloc : memref<!tpu.dma_semaphore, #tpu.memory_space<semaphore_mem>>
      %dma_start3A_90 = arith.constant 0 : i32
      %dma_start3A_91 = tpu.memref_slice %arg9[%run_scoped3A_83, %dma_start3A_90] : memref<125x40xi32, #tpu.memory_space<vmem>> -> memref<1x40xi32, #tpu.memory_space<vmem>>
      %dma_start3A_92 = tpu.memref_squeeze %dma_start3A_91 : memref<1x40xi32, #tpu.memory_space<vmem>> -> memref<40xi32, #tpu.memory_space<vmem>>
      %dma_start3A_93 = arith.constant 0 : i32
      %dma_start3A_94 = arith.constant 0 : i32
      %dma_start3A_95 = tpu.memref_slice %arg7[%dma_start3A_93, %dma_start3A_94] : memref<10000x48xf32, #tpu.memory_space<vmem_shared>> -> memref<10000x48xf32, #tpu.memory_space<vmem_shared>>
      tpu.enqueue_indirect_dma source(%arg14 : memref<40x48xf32, #tpu.memory_space<vmem>>) target(%dma_start3A_95 : memref<10000x48xf32, #tpu.memory_space<vmem_shared>>) offsets(%dma_start3A_92 : memref<40xi32, #tpu.memory_space<vmem>>) semaphore(%run_scoped3A_89 : memref<!tpu.dma_semaphore, #tpu.memory_space<semaphore_mem>>) {add = true}
      %dma_wait3A_96 = arith.constant 0 : i32
      %dma_wait3A_97 = tpu.memref_slice %arg9[%run_scoped3A_83, %dma_wait3A_96] : memref<125x40xi32, #tpu.memory_space<vmem>> -> memref<1x40xi32, #tpu.memory_space<vmem>>
      %dma_wait3A_98 = tpu.memref_squeeze %dma_wait3A_97 : memref<1x40xi32, #tpu.memory_space<vmem>> -> memref<40xi32, #tpu.memory_space<vmem>>
      %dma_wait3A_99 = arith.constant 0 : i32
      %dma_wait3A_100 = arith.constant 0 : i32
      %dma_wait3A_101 = tpu.memref_slice %arg7[%dma_wait3A_99, %dma_wait3A_100] : memref<10000x48xf32, #tpu.memory_space<vmem_shared>> -> memref<10000x48xf32, #tpu.memory_space<vmem_shared>>
      tpu.wait_indirect_dma semaphore(%run_scoped3A_89 : memref<!tpu.dma_semaphore, #tpu.memory_space<semaphore_mem>>) src(%arg14 : memref<40x48xf32, #tpu.memory_space<vmem>>) dst(%dma_wait3A_101 : memref<10000x48xf32, #tpu.memory_space<vmem_shared>>)
      tpu.yield
    }) : () -> ()
    %barrier3A_84 = arith.constant 0 : index
    tpu.barrier barrier_id(%barrier3A_84)
    %mul3A_85 = arith.constant 625 : i32
    %mul3A_86 = arith.muli %arg1, %mul3A_85 : i32
    %mul3A_87 = arith.constant 625 : i32
    %mul3A_88 = arith.muli %arg1, %mul3A_87 : i32
    "tpu.region"() ({
      %run_scoped3A_89 = tpu.sem_alloc : memref<!tpu.dma_semaphore, #tpu.memory_space<semaphore_mem>>
      %dma_start3A_90 = arith.constant 0 : i32
      %dma_start3A_91 = tpu.memref_slice %arg6[%arg0, %mul3A_88, %dma_start3A_90] : memref<2x10000x48xf32, #tpu.memory_space<hbm>> -> memref<1x625x48xf32, #tpu.memory_space<hbm>>
      %dma_start3A_92 = tpu.memref_squeeze %dma_start3A_91 : memref<1x625x48xf32, #tpu.memory_space<hbm>> -> memref<625x48xf32, #tpu.memory_space<hbm>>
      %dma_start3A_93 = arith.constant 0 : i32
      %dma_start3A_94 = tpu.memref_slice %arg7[%mul3A_86, %dma_start3A_93] : memref<10000x48xf32, #tpu.memory_space<vmem_shared>> -> memref<625x48xf32, #tpu.memory_space<vmem_shared>>
      tpu.enqueue_dma source(%dma_start3A_94 : memref<625x48xf32, #tpu.memory_space<vmem_shared>>) target(%dma_start3A_92 : memref<625x48xf32, #tpu.memory_space<hbm>>) target_semaphore(%run_scoped3A_89 : memref<!tpu.dma_semaphore, #tpu.memory_space<semaphore_mem>>)
      %dma_wait3A_95 = arith.constant 0 : i32
      %dma_wait3A_96 = tpu.memref_slice %arg6[%arg0, %mul3A_88, %dma_wait3A_95] : memref<2x10000x48xf32, #tpu.memory_space<hbm>> -> memref<1x625x48xf32, #tpu.memory_space<hbm>>
      %dma_wait3A_97 = tpu.memref_squeeze %dma_wait3A_96 : memref<1x625x48xf32, #tpu.memory_space<hbm>> -> memref<625x48xf32, #tpu.memory_space<hbm>>
      %dma_wait3A_98 = arith.constant 0 : i32
      %dma_wait3A_99 = tpu.memref_slice %arg7[%mul3A_86, %dma_wait3A_98] : memref<10000x48xf32, #tpu.memory_space<vmem_shared>> -> memref<625x48xf32, #tpu.memory_space<vmem_shared>>
      tpu.wait_dma2 semaphore(%run_scoped3A_89 : memref<!tpu.dma_semaphore, #tpu.memory_space<semaphore_mem>>) src(%dma_wait3A_99 : memref<625x48xf32, #tpu.memory_space<vmem_shared>>) dst(%dma_wait3A_97 : memref<625x48xf32, #tpu.memory_space<hbm>>)
      tpu.yield
    }) : () -> ()
    return
  }
}

#map = affine_map<(d0, d1) -> (0, 0)>
#map1 = affine_map<(d0, d1) -> (0, 0, 0)>
module attributes {stable_mosaic.version = 14 : i64} {
  func.func @body(%arg0: i32, %arg1: i32, %arg2: memref<10000x128xf32, #tpu.memory_space<hbm>>, %arg3: memref<10000x128xf32, #tpu.memory_space<hbm>>, %arg4: memref<16x250x40xi32, #tpu.memory_space<hbm>>, %arg5: memref<16x250x40xi32, #tpu.memory_space<hbm>>, %arg6: memref<625x128xf32, #tpu.memory_space<hbm>>, %arg7: memref<625x16xf32, #tpu.memory_space<hbm>>, %arg8: memref<40x16xf32, #tpu.memory_space<hbm>>, %arg9: memref<2x10000x128xf32, #tpu.memory_space<hbm>>, %arg10: memref<2x10000x16xf32, #tpu.memory_space<hbm>>, %arg11: memref<10000x128xf32, #tpu.memory_space<vmem_shared>>, %arg12: memref<250x40xi32, #tpu.memory_space<vmem>>, %arg13: memref<250x40xi32, #tpu.memory_space<vmem>>, %arg14: memref<40x128xf32, #tpu.memory_space<vmem>>, %arg15: memref<40x128xf32, #tpu.memory_space<vmem>>, %arg16: memref<40x128xf32, #tpu.memory_space<vmem>>, %arg17: memref<!tpu.dma_semaphore, #tpu.memory_space<semaphore_mem>>, %arg18: memref<!tpu.dma_semaphore, #tpu.memory_space<semaphore_mem>>, %arg19: memref<!tpu.dma_semaphore, #tpu.memory_space<semaphore_mem>>, %arg20: memref<10000x16xf32, #tpu.memory_space<vmem_shared>>, %arg21: memref<40x16xf32, #tpu.memory_space<vmem>>) attributes {dimension_semantics = [#tpu.dimension_semantics<core_parallel>, #tpu.dimension_semantics<subcore_parallel>], iteration_bounds = array<i64: 2, 16>, scalar_prefetch = 0 : i64, scratch_operands = 11 : i64, tpu.core_type = #tpu.core_type<sc_vector_subcore>, window_params = [{transform_indices = #map}, {transform_indices = #map}, {transform_indices = #map1}, {transform_indices = #map1}, {transform_indices = #map}, {transform_indices = #map}, {transform_indices = #map}, {transform_indices = #map1}, {transform_indices = #map1}]} {
    %mul3A = arith.constant 625 : i32
    %mul3A_0 = arith.muli %arg1, %mul3A : i32
    "tpu.region"() ({
      %run_scoped3A_59 = tpu.sem_alloc : memref<!tpu.dma_semaphore, #tpu.memory_space<semaphore_mem>>
      %dma_start3A = arith.constant 0 : i32
      %dma_start3A_60 = tpu.memref_slice %arg11[%mul3A_0, %dma_start3A] : memref<10000x128xf32, #tpu.memory_space<vmem_shared>> -> memref<625x128xf32, #tpu.memory_space<vmem_shared>>
      tpu.enqueue_dma source(%arg6 : memref<625x128xf32, #tpu.memory_space<hbm>>) target(%dma_start3A_60 : memref<625x128xf32, #tpu.memory_space<vmem_shared>>) target_semaphore(%run_scoped3A_59 : memref<!tpu.dma_semaphore, #tpu.memory_space<semaphore_mem>>)
      %dma_wait3A_61 = arith.constant 0 : i32
      %dma_wait3A_62 = tpu.memref_slice %arg11[%mul3A_0, %dma_wait3A_61] : memref<10000x128xf32, #tpu.memory_space<vmem_shared>> -> memref<625x128xf32, #tpu.memory_space<vmem_shared>>
      tpu.wait_dma2 semaphore(%run_scoped3A_59 : memref<!tpu.dma_semaphore, #tpu.memory_space<semaphore_mem>>) src(%arg6 : memref<625x128xf32, #tpu.memory_space<hbm>>) dst(%dma_wait3A_62 : memref<625x128xf32, #tpu.memory_space<vmem_shared>>)
      tpu.yield
    }) : () -> ()
    %mul3A_1 = arith.constant 625 : i32
    %mul3A_2 = arith.muli %arg1, %mul3A_1 : i32
    "tpu.region"() ({
      %run_scoped3A_59 = tpu.sem_alloc : memref<!tpu.dma_semaphore, #tpu.memory_space<semaphore_mem>>
      %dma_start3A = arith.constant 0 : i32
      %dma_start3A_60 = tpu.memref_slice %arg20[%mul3A_2, %dma_start3A] : memref<10000x16xf32, #tpu.memory_space<vmem_shared>> -> memref<625x16xf32, #tpu.memory_space<vmem_shared>>
      tpu.enqueue_dma source(%arg7 : memref<625x16xf32, #tpu.memory_space<hbm>>) target(%dma_start3A_60 : memref<625x16xf32, #tpu.memory_space<vmem_shared>>) target_semaphore(%run_scoped3A_59 : memref<!tpu.dma_semaphore, #tpu.memory_space<semaphore_mem>>)
      %dma_wait3A_61 = arith.constant 0 : i32
      %dma_wait3A_62 = tpu.memref_slice %arg20[%mul3A_2, %dma_wait3A_61] : memref<10000x16xf32, #tpu.memory_space<vmem_shared>> -> memref<625x16xf32, #tpu.memory_space<vmem_shared>>
      tpu.wait_dma2 semaphore(%run_scoped3A_59 : memref<!tpu.dma_semaphore, #tpu.memory_space<semaphore_mem>>) src(%arg7 : memref<625x16xf32, #tpu.memory_space<hbm>>) dst(%dma_wait3A_62 : memref<625x16xf32, #tpu.memory_space<vmem_shared>>)
      tpu.yield
    }) : () -> ()
    "tpu.region"() ({
      %run_scoped3A_59 = tpu.sem_alloc : memref<!tpu.dma_semaphore, #tpu.memory_space<semaphore_mem>>
      tpu.enqueue_dma source(%arg8 : memref<40x16xf32, #tpu.memory_space<hbm>>) target(%arg21 : memref<40x16xf32, #tpu.memory_space<vmem>>) target_semaphore(%run_scoped3A_59 : memref<!tpu.dma_semaphore, #tpu.memory_space<semaphore_mem>>)
      tpu.wait_dma2 semaphore(%run_scoped3A_59 : memref<!tpu.dma_semaphore, #tpu.memory_space<semaphore_mem>>) src(%arg8 : memref<40x16xf32, #tpu.memory_space<hbm>>) dst(%arg21 : memref<40x16xf32, #tpu.memory_space<vmem>>)
      tpu.yield
    }) : () -> ()
    "tpu.region"() ({
      %run_scoped3A_59 = tpu.sem_alloc : memref<!tpu.dma_semaphore, #tpu.memory_space<semaphore_mem>>
      %dma_start3A = arith.constant 0 : i32
      %dma_start3A_60 = arith.constant 0 : i32
      %dma_start3A_61 = tpu.memref_slice %arg4[%arg1, %dma_start3A, %dma_start3A_60] : memref<16x250x40xi32, #tpu.memory_space<hbm>> -> memref<1x250x40xi32, #tpu.memory_space<hbm>>
      %dma_start3A_62 = tpu.memref_squeeze %dma_start3A_61 : memref<1x250x40xi32, #tpu.memory_space<hbm>> -> memref<250x40xi32, #tpu.memory_space<hbm>>
      %dma_start3A_63 = arith.constant 0 : i32
      %dma_start3A_64 = arith.constant 0 : i32
      %dma_start3A_65 = tpu.memref_slice %arg4[%arg1, %dma_start3A_63, %dma_start3A_64] : memref<16x250x40xi32, #tpu.memory_space<hbm>> -> memref<1x250x40xi32, #tpu.memory_space<hbm>>
      %dma_start3A_66 = tpu.memref_squeeze %dma_start3A_65 : memref<1x250x40xi32, #tpu.memory_space<hbm>> -> memref<250x40xi32, #tpu.memory_space<hbm>>
      tpu.enqueue_dma source(%dma_start3A_66 : memref<250x40xi32, #tpu.memory_space<hbm>>) target(%arg12 : memref<250x40xi32, #tpu.memory_space<vmem>>) target_semaphore(%run_scoped3A_59 : memref<!tpu.dma_semaphore, #tpu.memory_space<semaphore_mem>>)
      %dma_wait3A_67 = arith.constant 0 : i32
      %dma_wait3A_68 = arith.constant 0 : i32
      %dma_wait3A_69 = tpu.memref_slice %arg4[%arg1, %dma_wait3A_67, %dma_wait3A_68] : memref<16x250x40xi32, #tpu.memory_space<hbm>> -> memref<1x250x40xi32, #tpu.memory_space<hbm>>
      %dma_wait3A_70 = tpu.memref_squeeze %dma_wait3A_69 : memref<1x250x40xi32, #tpu.memory_space<hbm>> -> memref<250x40xi32, #tpu.memory_space<hbm>>
      %dma_wait3A_71 = arith.constant 0 : i32
      %dma_wait3A_72 = arith.constant 0 : i32
      %dma_wait3A_73 = tpu.memref_slice %arg4[%arg1, %dma_wait3A_71, %dma_wait3A_72] : memref<16x250x40xi32, #tpu.memory_space<hbm>> -> memref<1x250x40xi32, #tpu.memory_space<hbm>>
      %dma_wait3A_74 = tpu.memref_squeeze %dma_wait3A_73 : memref<1x250x40xi32, #tpu.memory_space<hbm>> -> memref<250x40xi32, #tpu.memory_space<hbm>>
      tpu.wait_dma2 semaphore(%run_scoped3A_59 : memref<!tpu.dma_semaphore, #tpu.memory_space<semaphore_mem>>) src(%dma_wait3A_74 : memref<250x40xi32, #tpu.memory_space<hbm>>) dst(%arg12 : memref<250x40xi32, #tpu.memory_space<vmem>>)
      tpu.yield
    }) : () -> ()
    "tpu.region"() ({
      %run_scoped3A_59 = tpu.sem_alloc : memref<!tpu.dma_semaphore, #tpu.memory_space<semaphore_mem>>
      %dma_start3A = arith.constant 0 : i32
      %dma_start3A_60 = arith.constant 0 : i32
      %dma_start3A_61 = tpu.memref_slice %arg5[%arg1, %dma_start3A, %dma_start3A_60] : memref<16x250x40xi32, #tpu.memory_space<hbm>> -> memref<1x250x40xi32, #tpu.memory_space<hbm>>
      %dma_start3A_62 = tpu.memref_squeeze %dma_start3A_61 : memref<1x250x40xi32, #tpu.memory_space<hbm>> -> memref<250x40xi32, #tpu.memory_space<hbm>>
      %dma_start3A_63 = arith.constant 0 : i32
      %dma_start3A_64 = arith.constant 0 : i32
      %dma_start3A_65 = tpu.memref_slice %arg5[%arg1, %dma_start3A_63, %dma_start3A_64] : memref<16x250x40xi32, #tpu.memory_space<hbm>> -> memref<1x250x40xi32, #tpu.memory_space<hbm>>
      %dma_start3A_66 = tpu.memref_squeeze %dma_start3A_65 : memref<1x250x40xi32, #tpu.memory_space<hbm>> -> memref<250x40xi32, #tpu.memory_space<hbm>>
      tpu.enqueue_dma source(%dma_start3A_66 : memref<250x40xi32, #tpu.memory_space<hbm>>) target(%arg13 : memref<250x40xi32, #tpu.memory_space<vmem>>) target_semaphore(%run_scoped3A_59 : memref<!tpu.dma_semaphore, #tpu.memory_space<semaphore_mem>>)
      %dma_wait3A_67 = arith.constant 0 : i32
      %dma_wait3A_68 = arith.constant 0 : i32
      %dma_wait3A_69 = tpu.memref_slice %arg5[%arg1, %dma_wait3A_67, %dma_wait3A_68] : memref<16x250x40xi32, #tpu.memory_space<hbm>> -> memref<1x250x40xi32, #tpu.memory_space<hbm>>
      %dma_wait3A_70 = tpu.memref_squeeze %dma_wait3A_69 : memref<1x250x40xi32, #tpu.memory_space<hbm>> -> memref<250x40xi32, #tpu.memory_space<hbm>>
      %dma_wait3A_71 = arith.constant 0 : i32
      %dma_wait3A_72 = arith.constant 0 : i32
      %dma_wait3A_73 = tpu.memref_slice %arg5[%arg1, %dma_wait3A_71, %dma_wait3A_72] : memref<16x250x40xi32, #tpu.memory_space<hbm>> -> memref<1x250x40xi32, #tpu.memory_space<hbm>>
      %dma_wait3A_74 = tpu.memref_squeeze %dma_wait3A_73 : memref<1x250x40xi32, #tpu.memory_space<hbm>> -> memref<250x40xi32, #tpu.memory_space<hbm>>
      tpu.wait_dma2 semaphore(%run_scoped3A_59 : memref<!tpu.dma_semaphore, #tpu.memory_space<semaphore_mem>>) src(%dma_wait3A_74 : memref<250x40xi32, #tpu.memory_space<hbm>>) dst(%arg13 : memref<250x40xi32, #tpu.memory_space<vmem>>)
      tpu.yield
    }) : () -> ()
    %barrier3A = arith.constant 0 : index
    tpu.barrier barrier_id(%barrier3A)
    %eq3A = arith.constant 0 : i32
    %eq3A_3 = arith.cmpi eq, %arg0, %eq3A : i32
    %convert_element_type3A = arith.extui %eq3A_3 : i1 to i32
    %cond3A = arith.constant 0 : i32
    %cond3A_4 = arith.cmpi ne, %convert_element_type3A, %cond3A : i32
    scf.if %cond3A_4 {
      %dma_start3A = arith.constant 0 : i32
      %dma_start3A_59 = arith.constant 0 : i32
      %dma_start3A_60 = tpu.memref_slice %arg12[%dma_start3A, %dma_start3A_59] : memref<250x40xi32, #tpu.memory_space<vmem>> -> memref<1x40xi32, #tpu.memory_space<vmem>>
      %dma_start3A_61 = tpu.memref_squeeze %dma_start3A_60 : memref<1x40xi32, #tpu.memory_space<vmem>> -> memref<40xi32, #tpu.memory_space<vmem>>
      %dma_start3A_62 = arith.constant 0 : i32
      %dma_start3A_63 = arith.constant 0 : i32
      %dma_start3A_64 = tpu.memref_slice %arg2[%dma_start3A_62, %dma_start3A_63] : memref<10000x128xf32, #tpu.memory_space<hbm>> -> memref<10000x128xf32, #tpu.memory_space<hbm>>
      tpu.enqueue_indirect_dma source(%dma_start3A_64 : memref<10000x128xf32, #tpu.memory_space<hbm>>) target(%arg14 : memref<40x128xf32, #tpu.memory_space<vmem>>) offsets(%dma_start3A_61 : memref<40xi32, #tpu.memory_space<vmem>>) semaphore(%arg17 : memref<!tpu.dma_semaphore, #tpu.memory_space<semaphore_mem>>)
    } else {
    }
    %eq3A_5 = arith.constant 1 : i32
    %eq3A_6 = arith.cmpi eq, %arg0, %eq3A_5 : i32
    %convert_element_type3A_7 = arith.extui %eq3A_6 : i1 to i32
    %cond3A_8 = arith.constant 0 : i32
    %cond3A_9 = arith.cmpi ne, %convert_element_type3A_7, %cond3A_8 : i32
    scf.if %cond3A_9 {
      %dma_start3A = arith.constant 0 : i32
      %dma_start3A_59 = arith.constant 0 : i32
      %dma_start3A_60 = tpu.memref_slice %arg12[%dma_start3A, %dma_start3A_59] : memref<250x40xi32, #tpu.memory_space<vmem>> -> memref<1x40xi32, #tpu.memory_space<vmem>>
      %dma_start3A_61 = tpu.memref_squeeze %dma_start3A_60 : memref<1x40xi32, #tpu.memory_space<vmem>> -> memref<40xi32, #tpu.memory_space<vmem>>
      %dma_start3A_62 = arith.constant 0 : i32
      %dma_start3A_63 = arith.constant 0 : i32
      %dma_start3A_64 = tpu.memref_slice %arg3[%dma_start3A_62, %dma_start3A_63] : memref<10000x128xf32, #tpu.memory_space<hbm>> -> memref<10000x128xf32, #tpu.memory_space<hbm>>
      tpu.enqueue_indirect_dma source(%dma_start3A_64 : memref<10000x128xf32, #tpu.memory_space<hbm>>) target(%arg14 : memref<40x128xf32, #tpu.memory_space<vmem>>) offsets(%dma_start3A_61 : memref<40xi32, #tpu.memory_space<vmem>>) semaphore(%arg17 : memref<!tpu.dma_semaphore, #tpu.memory_space<semaphore_mem>>)
    } else {
    }
    %eq3A_10 = arith.constant 0 : i32
    %eq3A_11 = arith.cmpi eq, %arg0, %eq3A_10 : i32
    %convert_element_type3A_12 = arith.extui %eq3A_11 : i1 to i32
    %cond3A_13 = arith.constant 0 : i32
    %cond3A_14 = arith.cmpi ne, %convert_element_type3A_12, %cond3A_13 : i32
    scf.if %cond3A_14 {
      %dma_start3A = arith.constant 1 : i32
      %dma_start3A_59 = arith.constant 0 : i32
      %dma_start3A_60 = tpu.memref_slice %arg12[%dma_start3A, %dma_start3A_59] : memref<250x40xi32, #tpu.memory_space<vmem>> -> memref<1x40xi32, #tpu.memory_space<vmem>>
      %dma_start3A_61 = tpu.memref_squeeze %dma_start3A_60 : memref<1x40xi32, #tpu.memory_space<vmem>> -> memref<40xi32, #tpu.memory_space<vmem>>
      %dma_start3A_62 = arith.constant 0 : i32
      %dma_start3A_63 = arith.constant 0 : i32
      %dma_start3A_64 = tpu.memref_slice %arg2[%dma_start3A_62, %dma_start3A_63] : memref<10000x128xf32, #tpu.memory_space<hbm>> -> memref<10000x128xf32, #tpu.memory_space<hbm>>
      tpu.enqueue_indirect_dma source(%dma_start3A_64 : memref<10000x128xf32, #tpu.memory_space<hbm>>) target(%arg15 : memref<40x128xf32, #tpu.memory_space<vmem>>) offsets(%dma_start3A_61 : memref<40xi32, #tpu.memory_space<vmem>>) semaphore(%arg18 : memref<!tpu.dma_semaphore, #tpu.memory_space<semaphore_mem>>)
    } else {
    }
    %eq3A_15 = arith.constant 1 : i32
    %eq3A_16 = arith.cmpi eq, %arg0, %eq3A_15 : i32
    %convert_element_type3A_17 = arith.extui %eq3A_16 : i1 to i32
    %cond3A_18 = arith.constant 0 : i32
    %cond3A_19 = arith.cmpi ne, %convert_element_type3A_17, %cond3A_18 : i32
    scf.if %cond3A_19 {
      %dma_start3A = arith.constant 1 : i32
      %dma_start3A_59 = arith.constant 0 : i32
      %dma_start3A_60 = tpu.memref_slice %arg12[%dma_start3A, %dma_start3A_59] : memref<250x40xi32, #tpu.memory_space<vmem>> -> memref<1x40xi32, #tpu.memory_space<vmem>>
      %dma_start3A_61 = tpu.memref_squeeze %dma_start3A_60 : memref<1x40xi32, #tpu.memory_space<vmem>> -> memref<40xi32, #tpu.memory_space<vmem>>
      %dma_start3A_62 = arith.constant 0 : i32
      %dma_start3A_63 = arith.constant 0 : i32
      %dma_start3A_64 = tpu.memref_slice %arg3[%dma_start3A_62, %dma_start3A_63] : memref<10000x128xf32, #tpu.memory_space<hbm>> -> memref<10000x128xf32, #tpu.memory_space<hbm>>
      tpu.enqueue_indirect_dma source(%dma_start3A_64 : memref<10000x128xf32, #tpu.memory_space<hbm>>) target(%arg15 : memref<40x128xf32, #tpu.memory_space<vmem>>) offsets(%dma_start3A_61 : memref<40xi32, #tpu.memory_space<vmem>>) semaphore(%arg18 : memref<!tpu.dma_semaphore, #tpu.memory_space<semaphore_mem>>)
    } else {
    }
    %eq3A_20 = arith.constant 0 : i32
    %eq3A_21 = arith.cmpi eq, %arg0, %eq3A_20 : i32
    %convert_element_type3A_22 = arith.extui %eq3A_21 : i1 to i32
    %cond3A_23 = arith.constant 0 : i32
    %cond3A_24 = arith.cmpi ne, %convert_element_type3A_22, %cond3A_23 : i32
    scf.if %cond3A_24 {
      %dma_start3A = arith.constant 2 : i32
      %dma_start3A_59 = arith.constant 0 : i32
      %dma_start3A_60 = tpu.memref_slice %arg12[%dma_start3A, %dma_start3A_59] : memref<250x40xi32, #tpu.memory_space<vmem>> -> memref<1x40xi32, #tpu.memory_space<vmem>>
      %dma_start3A_61 = tpu.memref_squeeze %dma_start3A_60 : memref<1x40xi32, #tpu.memory_space<vmem>> -> memref<40xi32, #tpu.memory_space<vmem>>
      %dma_start3A_62 = arith.constant 0 : i32
      %dma_start3A_63 = arith.constant 0 : i32
      %dma_start3A_64 = tpu.memref_slice %arg2[%dma_start3A_62, %dma_start3A_63] : memref<10000x128xf32, #tpu.memory_space<hbm>> -> memref<10000x128xf32, #tpu.memory_space<hbm>>
      tpu.enqueue_indirect_dma source(%dma_start3A_64 : memref<10000x128xf32, #tpu.memory_space<hbm>>) target(%arg16 : memref<40x128xf32, #tpu.memory_space<vmem>>) offsets(%dma_start3A_61 : memref<40xi32, #tpu.memory_space<vmem>>) semaphore(%arg19 : memref<!tpu.dma_semaphore, #tpu.memory_space<semaphore_mem>>)
    } else {
    }
    %eq3A_25 = arith.constant 1 : i32
    %eq3A_26 = arith.cmpi eq, %arg0, %eq3A_25 : i32
    %convert_element_type3A_27 = arith.extui %eq3A_26 : i1 to i32
    %cond3A_28 = arith.constant 0 : i32
    %cond3A_29 = arith.cmpi ne, %convert_element_type3A_27, %cond3A_28 : i32
    scf.if %cond3A_29 {
      %dma_start3A = arith.constant 2 : i32
      %dma_start3A_59 = arith.constant 0 : i32
      %dma_start3A_60 = tpu.memref_slice %arg12[%dma_start3A, %dma_start3A_59] : memref<250x40xi32, #tpu.memory_space<vmem>> -> memref<1x40xi32, #tpu.memory_space<vmem>>
      %dma_start3A_61 = tpu.memref_squeeze %dma_start3A_60 : memref<1x40xi32, #tpu.memory_space<vmem>> -> memref<40xi32, #tpu.memory_space<vmem>>
      %dma_start3A_62 = arith.constant 0 : i32
      %dma_start3A_63 = arith.constant 0 : i32
      %dma_start3A_64 = tpu.memref_slice %arg3[%dma_start3A_62, %dma_start3A_63] : memref<10000x128xf32, #tpu.memory_space<hbm>> -> memref<10000x128xf32, #tpu.memory_space<hbm>>
      tpu.enqueue_indirect_dma source(%dma_start3A_64 : memref<10000x128xf32, #tpu.memory_space<hbm>>) target(%arg16 : memref<40x128xf32, #tpu.memory_space<vmem>>) offsets(%dma_start3A_61 : memref<40xi32, #tpu.memory_space<vmem>>) semaphore(%arg19 : memref<!tpu.dma_semaphore, #tpu.memory_space<semaphore_mem>>)
    } else {
    }
    %scan3A = arith.constant 0 : i32
    %scan3A_30 = arith.constant 83 : i32
    %scan3A_31 = arith.addi %scan3A, %scan3A_30 : i32
    %scan3A_32 = arith.constant 1 : i32
    scf.for %scan3A_59 = %scan3A to %scan3A_31 step %scan3A_32  : i32 {
      %mul3A_60 = arith.constant 3 : i32
      %mul3A_61 = arith.muli %scan3A_59, %mul3A_60 : i32
      %add3A = arith.constant 0 : i32
      %add3A_62 = arith.addi %add3A, %mul3A_61 : i32
      %add3A_63 = arith.constant 0 : i32
      %add3A_64 = arith.addi %add3A_62, %add3A_63 : i32
      %dma_wait3A_65 = arith.constant 0 : i32
      %dma_wait3A_66 = tpu.memref_slice %arg12[%add3A_64, %dma_wait3A_65] : memref<250x40xi32, #tpu.memory_space<vmem>> -> memref<1x40xi32, #tpu.memory_space<vmem>>
      %dma_wait3A_67 = tpu.memref_squeeze %dma_wait3A_66 : memref<1x40xi32, #tpu.memory_space<vmem>> -> memref<40xi32, #tpu.memory_space<vmem>>
      %dma_wait3A_68 = arith.constant 0 : i32
      %dma_wait3A_69 = arith.constant 0 : i32
      %dma_wait3A_70 = tpu.memref_slice %arg2[%dma_wait3A_68, %dma_wait3A_69] : memref<10000x128xf32, #tpu.memory_space<hbm>> -> memref<10000x128xf32, #tpu.memory_space<hbm>>
      tpu.wait_indirect_dma semaphore(%arg17 : memref<!tpu.dma_semaphore, #tpu.memory_space<semaphore_mem>>) src(%dma_wait3A_70 : memref<10000x128xf32, #tpu.memory_space<hbm>>) dst(%arg14 : memref<40x128xf32, #tpu.memory_space<vmem>>)
      %add3A_71 = arith.constant 3 : i32
      %add3A_72 = arith.addi %add3A_64, %add3A_71 : i32
      %lt3A = arith.constant 250 : i32
      %lt3A_73 = arith.cmpi slt, %add3A_72, %lt3A : i32
      %convert_element_type3A_74 = arith.extui %lt3A_73 : i1 to i32
      %cond3A_75 = arith.constant 0 : i32
      %cond3A_76 = arith.cmpi ne, %convert_element_type3A_74, %cond3A_75 : i32
      scf.if %cond3A_76 {
        %eq3A_148 = arith.constant 0 : i32
        %eq3A_149 = arith.cmpi eq, %arg0, %eq3A_148 : i32
        %convert_element_type3A_150 = arith.extui %eq3A_149 : i1 to i32
        %cond3A_151 = arith.constant 0 : i32
        %cond3A_152 = arith.cmpi ne, %convert_element_type3A_150, %cond3A_151 : i32
        scf.if %cond3A_152 {
          %dma_start3A = arith.constant 0 : i32
          %dma_start3A_158 = tpu.memref_slice %arg12[%add3A_72, %dma_start3A] : memref<250x40xi32, #tpu.memory_space<vmem>> -> memref<1x40xi32, #tpu.memory_space<vmem>>
          %dma_start3A_159 = tpu.memref_squeeze %dma_start3A_158 : memref<1x40xi32, #tpu.memory_space<vmem>> -> memref<40xi32, #tpu.memory_space<vmem>>
          %dma_start3A_160 = arith.constant 0 : i32
          %dma_start3A_161 = arith.constant 0 : i32
          %dma_start3A_162 = tpu.memref_slice %arg2[%dma_start3A_160, %dma_start3A_161] : memref<10000x128xf32, #tpu.memory_space<hbm>> -> memref<10000x128xf32, #tpu.memory_space<hbm>>
          tpu.enqueue_indirect_dma source(%dma_start3A_162 : memref<10000x128xf32, #tpu.memory_space<hbm>>) target(%arg14 : memref<40x128xf32, #tpu.memory_space<vmem>>) offsets(%dma_start3A_159 : memref<40xi32, #tpu.memory_space<vmem>>) semaphore(%arg17 : memref<!tpu.dma_semaphore, #tpu.memory_space<semaphore_mem>>)
        } else {
        }
        %eq3A_153 = arith.constant 1 : i32
        %eq3A_154 = arith.cmpi eq, %arg0, %eq3A_153 : i32
        %convert_element_type3A_155 = arith.extui %eq3A_154 : i1 to i32
        %cond3A_156 = arith.constant 0 : i32
        %cond3A_157 = arith.cmpi ne, %convert_element_type3A_155, %cond3A_156 : i32
        scf.if %cond3A_157 {
          %dma_start3A = arith.constant 0 : i32
          %dma_start3A_158 = tpu.memref_slice %arg12[%add3A_72, %dma_start3A] : memref<250x40xi32, #tpu.memory_space<vmem>> -> memref<1x40xi32, #tpu.memory_space<vmem>>
          %dma_start3A_159 = tpu.memref_squeeze %dma_start3A_158 : memref<1x40xi32, #tpu.memory_space<vmem>> -> memref<40xi32, #tpu.memory_space<vmem>>
          %dma_start3A_160 = arith.constant 0 : i32
          %dma_start3A_161 = arith.constant 0 : i32
          %dma_start3A_162 = tpu.memref_slice %arg3[%dma_start3A_160, %dma_start3A_161] : memref<10000x128xf32, #tpu.memory_space<hbm>> -> memref<10000x128xf32, #tpu.memory_space<hbm>>
          tpu.enqueue_indirect_dma source(%dma_start3A_162 : memref<10000x128xf32, #tpu.memory_space<hbm>>) target(%arg14 : memref<40x128xf32, #tpu.memory_space<vmem>>) offsets(%dma_start3A_159 : memref<40xi32, #tpu.memory_space<vmem>>) semaphore(%arg17 : memref<!tpu.dma_semaphore, #tpu.memory_space<semaphore_mem>>)
        } else {
        }
      } else {
      }
      "tpu.region"() ({
        %run_scoped3A_148 = tpu.sem_alloc : memref<!tpu.dma_semaphore, #tpu.memory_space<semaphore_mem>>
        %dma_start3A = arith.constant 0 : i32
        %dma_start3A_149 = tpu.memref_slice %arg13[%add3A_64, %dma_start3A] : memref<250x40xi32, #tpu.memory_space<vmem>> -> memref<1x40xi32, #tpu.memory_space<vmem>>
        %dma_start3A_150 = tpu.memref_squeeze %dma_start3A_149 : memref<1x40xi32, #tpu.memory_space<vmem>> -> memref<40xi32, #tpu.memory_space<vmem>>
        %dma_start3A_151 = arith.constant 0 : i32
        %dma_start3A_152 = arith.constant 0 : i32
        %dma_start3A_153 = tpu.memref_slice %arg11[%dma_start3A_151, %dma_start3A_152] : memref<10000x128xf32, #tpu.memory_space<vmem_shared>> -> memref<10000x128xf32, #tpu.memory_space<vmem_shared>>
        tpu.enqueue_indirect_dma source(%arg14 : memref<40x128xf32, #tpu.memory_space<vmem>>) target(%dma_start3A_153 : memref<10000x128xf32, #tpu.memory_space<vmem_shared>>) offsets(%dma_start3A_150 : memref<40xi32, #tpu.memory_space<vmem>>) semaphore(%run_scoped3A_148 : memref<!tpu.dma_semaphore, #tpu.memory_space<semaphore_mem>>) {add = true}
        %dma_wait3A_154 = arith.constant 0 : i32
        %dma_wait3A_155 = tpu.memref_slice %arg13[%add3A_64, %dma_wait3A_154] : memref<250x40xi32, #tpu.memory_space<vmem>> -> memref<1x40xi32, #tpu.memory_space<vmem>>
        %dma_wait3A_156 = tpu.memref_squeeze %dma_wait3A_155 : memref<1x40xi32, #tpu.memory_space<vmem>> -> memref<40xi32, #tpu.memory_space<vmem>>
        %dma_wait3A_157 = arith.constant 0 : i32
        %dma_wait3A_158 = arith.constant 0 : i32
        %dma_wait3A_159 = tpu.memref_slice %arg11[%dma_wait3A_157, %dma_wait3A_158] : memref<10000x128xf32, #tpu.memory_space<vmem_shared>> -> memref<10000x128xf32, #tpu.memory_space<vmem_shared>>
        tpu.wait_indirect_dma semaphore(%run_scoped3A_148 : memref<!tpu.dma_semaphore, #tpu.memory_space<semaphore_mem>>) src(%arg14 : memref<40x128xf32, #tpu.memory_space<vmem>>) dst(%dma_wait3A_159 : memref<10000x128xf32, #tpu.memory_space<vmem_shared>>)
        tpu.yield
      }) : () -> ()
      %eq3A_77 = arith.constant 0 : i32
      %eq3A_78 = arith.cmpi eq, %arg0, %eq3A_77 : i32
      %lt3A_79 = arith.constant 125 : i32
      %lt3A_80 = arith.cmpi slt, %add3A_64, %lt3A_79 : i32
      %and3A_81 = arith.andi %eq3A_78, %lt3A_80 : i1
      %eq3A_82 = arith.constant 1 : i32
      %eq3A_83 = arith.cmpi eq, %arg0, %eq3A_82 : i32
      %ge3A = arith.constant 125 : i32
      %ge3A_84 = arith.cmpi sge, %add3A_64, %ge3A : i32
      %and3A_85 = arith.andi %eq3A_83, %ge3A_84 : i1
      %or3A_86 = arith.ori %and3A_81, %and3A_85 : i1
      %convert_element_type3A_87 = arith.extui %or3A_86 : i1 to i32
      %cond3A_88 = arith.constant 0 : i32
      %cond3A_89 = arith.cmpi ne, %convert_element_type3A_87, %cond3A_88 : i32
      scf.if %cond3A_89 {
        "tpu.region"() ({
          %run_scoped3A_148 = tpu.sem_alloc : memref<!tpu.dma_semaphore, #tpu.memory_space<semaphore_mem>>
          %dma_start3A = arith.constant 0 : i32
          %dma_start3A_149 = tpu.memref_slice %arg13[%add3A_64, %dma_start3A] : memref<250x40xi32, #tpu.memory_space<vmem>> -> memref<1x40xi32, #tpu.memory_space<vmem>>
          %dma_start3A_150 = tpu.memref_squeeze %dma_start3A_149 : memref<1x40xi32, #tpu.memory_space<vmem>> -> memref<40xi32, #tpu.memory_space<vmem>>
          %dma_start3A_151 = arith.constant 0 : i32
          %dma_start3A_152 = arith.constant 0 : i32
          %dma_start3A_153 = tpu.memref_slice %arg20[%dma_start3A_151, %dma_start3A_152] : memref<10000x16xf32, #tpu.memory_space<vmem_shared>> -> memref<10000x16xf32, #tpu.memory_space<vmem_shared>>
          tpu.enqueue_indirect_dma source(%arg21 : memref<40x16xf32, #tpu.memory_space<vmem>>) target(%dma_start3A_153 : memref<10000x16xf32, #tpu.memory_space<vmem_shared>>) offsets(%dma_start3A_150 : memref<40xi32, #tpu.memory_space<vmem>>) semaphore(%run_scoped3A_148 : memref<!tpu.dma_semaphore, #tpu.memory_space<semaphore_mem>>) {add = true}
          %dma_wait3A_154 = arith.constant 0 : i32
          %dma_wait3A_155 = tpu.memref_slice %arg13[%add3A_64, %dma_wait3A_154] : memref<250x40xi32, #tpu.memory_space<vmem>> -> memref<1x40xi32, #tpu.memory_space<vmem>>
          %dma_wait3A_156 = tpu.memref_squeeze %dma_wait3A_155 : memref<1x40xi32, #tpu.memory_space<vmem>> -> memref<40xi32, #tpu.memory_space<vmem>>
          %dma_wait3A_157 = arith.constant 0 : i32
          %dma_wait3A_158 = arith.constant 0 : i32
          %dma_wait3A_159 = tpu.memref_slice %arg20[%dma_wait3A_157, %dma_wait3A_158] : memref<10000x16xf32, #tpu.memory_space<vmem_shared>> -> memref<10000x16xf32, #tpu.memory_space<vmem_shared>>
          tpu.wait_indirect_dma semaphore(%run_scoped3A_148 : memref<!tpu.dma_semaphore, #tpu.memory_space<semaphore_mem>>) src(%arg21 : memref<40x16xf32, #tpu.memory_space<vmem>>) dst(%dma_wait3A_159 : memref<10000x16xf32, #tpu.memory_space<vmem_shared>>)
          tpu.yield
        }) : () -> ()
      } else {
      }
      %add3A_90 = arith.constant 1 : i32
      %add3A_91 = arith.addi %add3A_62, %add3A_90 : i32
      %dma_wait3A_92 = arith.constant 0 : i32
      %dma_wait3A_93 = tpu.memref_slice %arg12[%add3A_91, %dma_wait3A_92] : memref<250x40xi32, #tpu.memory_space<vmem>> -> memref<1x40xi32, #tpu.memory_space<vmem>>
      %dma_wait3A_94 = tpu.memref_squeeze %dma_wait3A_93 : memref<1x40xi32, #tpu.memory_space<vmem>> -> memref<40xi32, #tpu.memory_space<vmem>>
      %dma_wait3A_95 = arith.constant 0 : i32
      %dma_wait3A_96 = arith.constant 0 : i32
      %dma_wait3A_97 = tpu.memref_slice %arg2[%dma_wait3A_95, %dma_wait3A_96] : memref<10000x128xf32, #tpu.memory_space<hbm>> -> memref<10000x128xf32, #tpu.memory_space<hbm>>
      tpu.wait_indirect_dma semaphore(%arg18 : memref<!tpu.dma_semaphore, #tpu.memory_space<semaphore_mem>>) src(%dma_wait3A_97 : memref<10000x128xf32, #tpu.memory_space<hbm>>) dst(%arg15 : memref<40x128xf32, #tpu.memory_space<vmem>>)
      %add3A_98 = arith.constant 3 : i32
      %add3A_99 = arith.addi %add3A_91, %add3A_98 : i32
      %lt3A_100 = arith.constant 250 : i32
      %lt3A_101 = arith.cmpi slt, %add3A_99, %lt3A_100 : i32
      %convert_element_type3A_102 = arith.extui %lt3A_101 : i1 to i32
      %cond3A_103 = arith.constant 0 : i32
      %cond3A_104 = arith.cmpi ne, %convert_element_type3A_102, %cond3A_103 : i32
      scf.if %cond3A_104 {
        %eq3A_148 = arith.constant 0 : i32
        %eq3A_149 = arith.cmpi eq, %arg0, %eq3A_148 : i32
        %convert_element_type3A_150 = arith.extui %eq3A_149 : i1 to i32
        %cond3A_151 = arith.constant 0 : i32
        %cond3A_152 = arith.cmpi ne, %convert_element_type3A_150, %cond3A_151 : i32
        scf.if %cond3A_152 {
          %dma_start3A = arith.constant 0 : i32
          %dma_start3A_158 = tpu.memref_slice %arg12[%add3A_99, %dma_start3A] : memref<250x40xi32, #tpu.memory_space<vmem>> -> memref<1x40xi32, #tpu.memory_space<vmem>>
          %dma_start3A_159 = tpu.memref_squeeze %dma_start3A_158 : memref<1x40xi32, #tpu.memory_space<vmem>> -> memref<40xi32, #tpu.memory_space<vmem>>
          %dma_start3A_160 = arith.constant 0 : i32
          %dma_start3A_161 = arith.constant 0 : i32
          %dma_start3A_162 = tpu.memref_slice %arg2[%dma_start3A_160, %dma_start3A_161] : memref<10000x128xf32, #tpu.memory_space<hbm>> -> memref<10000x128xf32, #tpu.memory_space<hbm>>
          tpu.enqueue_indirect_dma source(%dma_start3A_162 : memref<10000x128xf32, #tpu.memory_space<hbm>>) target(%arg15 : memref<40x128xf32, #tpu.memory_space<vmem>>) offsets(%dma_start3A_159 : memref<40xi32, #tpu.memory_space<vmem>>) semaphore(%arg18 : memref<!tpu.dma_semaphore, #tpu.memory_space<semaphore_mem>>)
        } else {
        }
        %eq3A_153 = arith.constant 1 : i32
        %eq3A_154 = arith.cmpi eq, %arg0, %eq3A_153 : i32
        %convert_element_type3A_155 = arith.extui %eq3A_154 : i1 to i32
        %cond3A_156 = arith.constant 0 : i32
        %cond3A_157 = arith.cmpi ne, %convert_element_type3A_155, %cond3A_156 : i32
        scf.if %cond3A_157 {
          %dma_start3A = arith.constant 0 : i32
          %dma_start3A_158 = tpu.memref_slice %arg12[%add3A_99, %dma_start3A] : memref<250x40xi32, #tpu.memory_space<vmem>> -> memref<1x40xi32, #tpu.memory_space<vmem>>
          %dma_start3A_159 = tpu.memref_squeeze %dma_start3A_158 : memref<1x40xi32, #tpu.memory_space<vmem>> -> memref<40xi32, #tpu.memory_space<vmem>>
          %dma_start3A_160 = arith.constant 0 : i32
          %dma_start3A_161 = arith.constant 0 : i32
          %dma_start3A_162 = tpu.memref_slice %arg3[%dma_start3A_160, %dma_start3A_161] : memref<10000x128xf32, #tpu.memory_space<hbm>> -> memref<10000x128xf32, #tpu.memory_space<hbm>>
          tpu.enqueue_indirect_dma source(%dma_start3A_162 : memref<10000x128xf32, #tpu.memory_space<hbm>>) target(%arg15 : memref<40x128xf32, #tpu.memory_space<vmem>>) offsets(%dma_start3A_159 : memref<40xi32, #tpu.memory_space<vmem>>) semaphore(%arg18 : memref<!tpu.dma_semaphore, #tpu.memory_space<semaphore_mem>>)
        } else {
        }
      } else {
      }
      "tpu.region"() ({
        %run_scoped3A_148 = tpu.sem_alloc : memref<!tpu.dma_semaphore, #tpu.memory_space<semaphore_mem>>
        %dma_start3A = arith.constant 0 : i32
        %dma_start3A_149 = tpu.memref_slice %arg13[%add3A_91, %dma_start3A] : memref<250x40xi32, #tpu.memory_space<vmem>> -> memref<1x40xi32, #tpu.memory_space<vmem>>
        %dma_start3A_150 = tpu.memref_squeeze %dma_start3A_149 : memref<1x40xi32, #tpu.memory_space<vmem>> -> memref<40xi32, #tpu.memory_space<vmem>>
        %dma_start3A_151 = arith.constant 0 : i32
        %dma_start3A_152 = arith.constant 0 : i32
        %dma_start3A_153 = tpu.memref_slice %arg11[%dma_start3A_151, %dma_start3A_152] : memref<10000x128xf32, #tpu.memory_space<vmem_shared>> -> memref<10000x128xf32, #tpu.memory_space<vmem_shared>>
        tpu.enqueue_indirect_dma source(%arg15 : memref<40x128xf32, #tpu.memory_space<vmem>>) target(%dma_start3A_153 : memref<10000x128xf32, #tpu.memory_space<vmem_shared>>) offsets(%dma_start3A_150 : memref<40xi32, #tpu.memory_space<vmem>>) semaphore(%run_scoped3A_148 : memref<!tpu.dma_semaphore, #tpu.memory_space<semaphore_mem>>) {add = true}
        %dma_wait3A_154 = arith.constant 0 : i32
        %dma_wait3A_155 = tpu.memref_slice %arg13[%add3A_91, %dma_wait3A_154] : memref<250x40xi32, #tpu.memory_space<vmem>> -> memref<1x40xi32, #tpu.memory_space<vmem>>
        %dma_wait3A_156 = tpu.memref_squeeze %dma_wait3A_155 : memref<1x40xi32, #tpu.memory_space<vmem>> -> memref<40xi32, #tpu.memory_space<vmem>>
        %dma_wait3A_157 = arith.constant 0 : i32
        %dma_wait3A_158 = arith.constant 0 : i32
        %dma_wait3A_159 = tpu.memref_slice %arg11[%dma_wait3A_157, %dma_wait3A_158] : memref<10000x128xf32, #tpu.memory_space<vmem_shared>> -> memref<10000x128xf32, #tpu.memory_space<vmem_shared>>
        tpu.wait_indirect_dma semaphore(%run_scoped3A_148 : memref<!tpu.dma_semaphore, #tpu.memory_space<semaphore_mem>>) src(%arg15 : memref<40x128xf32, #tpu.memory_space<vmem>>) dst(%dma_wait3A_159 : memref<10000x128xf32, #tpu.memory_space<vmem_shared>>)
        tpu.yield
      }) : () -> ()
      %eq3A_105 = arith.constant 0 : i32
      %eq3A_106 = arith.cmpi eq, %arg0, %eq3A_105 : i32
      %lt3A_107 = arith.constant 125 : i32
      %lt3A_108 = arith.cmpi slt, %add3A_91, %lt3A_107 : i32
      %and3A_109 = arith.andi %eq3A_106, %lt3A_108 : i1
      %eq3A_110 = arith.constant 1 : i32
      %eq3A_111 = arith.cmpi eq, %arg0, %eq3A_110 : i32
      %ge3A_112 = arith.constant 125 : i32
      %ge3A_113 = arith.cmpi sge, %add3A_91, %ge3A_112 : i32
      %and3A_114 = arith.andi %eq3A_111, %ge3A_113 : i1
      %or3A_115 = arith.ori %and3A_109, %and3A_114 : i1
      %convert_element_type3A_116 = arith.extui %or3A_115 : i1 to i32
      %cond3A_117 = arith.constant 0 : i32
      %cond3A_118 = arith.cmpi ne, %convert_element_type3A_116, %cond3A_117 : i32
      scf.if %cond3A_118 {
        "tpu.region"() ({
          %run_scoped3A_148 = tpu.sem_alloc : memref<!tpu.dma_semaphore, #tpu.memory_space<semaphore_mem>>
          %dma_start3A = arith.constant 0 : i32
          %dma_start3A_149 = tpu.memref_slice %arg13[%add3A_91, %dma_start3A] : memref<250x40xi32, #tpu.memory_space<vmem>> -> memref<1x40xi32, #tpu.memory_space<vmem>>
          %dma_start3A_150 = tpu.memref_squeeze %dma_start3A_149 : memref<1x40xi32, #tpu.memory_space<vmem>> -> memref<40xi32, #tpu.memory_space<vmem>>
          %dma_start3A_151 = arith.constant 0 : i32
          %dma_start3A_152 = arith.constant 0 : i32
          %dma_start3A_153 = tpu.memref_slice %arg20[%dma_start3A_151, %dma_start3A_152] : memref<10000x16xf32, #tpu.memory_space<vmem_shared>> -> memref<10000x16xf32, #tpu.memory_space<vmem_shared>>
          tpu.enqueue_indirect_dma source(%arg21 : memref<40x16xf32, #tpu.memory_space<vmem>>) target(%dma_start3A_153 : memref<10000x16xf32, #tpu.memory_space<vmem_shared>>) offsets(%dma_start3A_150 : memref<40xi32, #tpu.memory_space<vmem>>) semaphore(%run_scoped3A_148 : memref<!tpu.dma_semaphore, #tpu.memory_space<semaphore_mem>>) {add = true}
          %dma_wait3A_154 = arith.constant 0 : i32
          %dma_wait3A_155 = tpu.memref_slice %arg13[%add3A_91, %dma_wait3A_154] : memref<250x40xi32, #tpu.memory_space<vmem>> -> memref<1x40xi32, #tpu.memory_space<vmem>>
          %dma_wait3A_156 = tpu.memref_squeeze %dma_wait3A_155 : memref<1x40xi32, #tpu.memory_space<vmem>> -> memref<40xi32, #tpu.memory_space<vmem>>
          %dma_wait3A_157 = arith.constant 0 : i32
          %dma_wait3A_158 = arith.constant 0 : i32
          %dma_wait3A_159 = tpu.memref_slice %arg20[%dma_wait3A_157, %dma_wait3A_158] : memref<10000x16xf32, #tpu.memory_space<vmem_shared>> -> memref<10000x16xf32, #tpu.memory_space<vmem_shared>>
          tpu.wait_indirect_dma semaphore(%run_scoped3A_148 : memref<!tpu.dma_semaphore, #tpu.memory_space<semaphore_mem>>) src(%arg21 : memref<40x16xf32, #tpu.memory_space<vmem>>) dst(%dma_wait3A_159 : memref<10000x16xf32, #tpu.memory_space<vmem_shared>>)
          tpu.yield
        }) : () -> ()
      } else {
      }
      %add3A_119 = arith.constant 2 : i32
      %add3A_120 = arith.addi %add3A_62, %add3A_119 : i32
      %dma_wait3A_121 = arith.constant 0 : i32
      %dma_wait3A_122 = tpu.memref_slice %arg12[%add3A_120, %dma_wait3A_121] : memref<250x40xi32, #tpu.memory_space<vmem>> -> memref<1x40xi32, #tpu.memory_space<vmem>>
      %dma_wait3A_123 = tpu.memref_squeeze %dma_wait3A_122 : memref<1x40xi32, #tpu.memory_space<vmem>> -> memref<40xi32, #tpu.memory_space<vmem>>
      %dma_wait3A_124 = arith.constant 0 : i32
      %dma_wait3A_125 = arith.constant 0 : i32
      %dma_wait3A_126 = tpu.memref_slice %arg2[%dma_wait3A_124, %dma_wait3A_125] : memref<10000x128xf32, #tpu.memory_space<hbm>> -> memref<10000x128xf32, #tpu.memory_space<hbm>>
      tpu.wait_indirect_dma semaphore(%arg19 : memref<!tpu.dma_semaphore, #tpu.memory_space<semaphore_mem>>) src(%dma_wait3A_126 : memref<10000x128xf32, #tpu.memory_space<hbm>>) dst(%arg16 : memref<40x128xf32, #tpu.memory_space<vmem>>)
      %add3A_127 = arith.constant 3 : i32
      %add3A_128 = arith.addi %add3A_120, %add3A_127 : i32
      %lt3A_129 = arith.constant 250 : i32
      %lt3A_130 = arith.cmpi slt, %add3A_128, %lt3A_129 : i32
      %convert_element_type3A_131 = arith.extui %lt3A_130 : i1 to i32
      %cond3A_132 = arith.constant 0 : i32
      %cond3A_133 = arith.cmpi ne, %convert_element_type3A_131, %cond3A_132 : i32
      scf.if %cond3A_133 {
        %eq3A_148 = arith.constant 0 : i32
        %eq3A_149 = arith.cmpi eq, %arg0, %eq3A_148 : i32
        %convert_element_type3A_150 = arith.extui %eq3A_149 : i1 to i32
        %cond3A_151 = arith.constant 0 : i32
        %cond3A_152 = arith.cmpi ne, %convert_element_type3A_150, %cond3A_151 : i32
        scf.if %cond3A_152 {
          %dma_start3A = arith.constant 0 : i32
          %dma_start3A_158 = tpu.memref_slice %arg12[%add3A_128, %dma_start3A] : memref<250x40xi32, #tpu.memory_space<vmem>> -> memref<1x40xi32, #tpu.memory_space<vmem>>
          %dma_start3A_159 = tpu.memref_squeeze %dma_start3A_158 : memref<1x40xi32, #tpu.memory_space<vmem>> -> memref<40xi32, #tpu.memory_space<vmem>>
          %dma_start3A_160 = arith.constant 0 : i32
          %dma_start3A_161 = arith.constant 0 : i32
          %dma_start3A_162 = tpu.memref_slice %arg2[%dma_start3A_160, %dma_start3A_161] : memref<10000x128xf32, #tpu.memory_space<hbm>> -> memref<10000x128xf32, #tpu.memory_space<hbm>>
          tpu.enqueue_indirect_dma source(%dma_start3A_162 : memref<10000x128xf32, #tpu.memory_space<hbm>>) target(%arg16 : memref<40x128xf32, #tpu.memory_space<vmem>>) offsets(%dma_start3A_159 : memref<40xi32, #tpu.memory_space<vmem>>) semaphore(%arg19 : memref<!tpu.dma_semaphore, #tpu.memory_space<semaphore_mem>>)
        } else {
        }
        %eq3A_153 = arith.constant 1 : i32
        %eq3A_154 = arith.cmpi eq, %arg0, %eq3A_153 : i32
        %convert_element_type3A_155 = arith.extui %eq3A_154 : i1 to i32
        %cond3A_156 = arith.constant 0 : i32
        %cond3A_157 = arith.cmpi ne, %convert_element_type3A_155, %cond3A_156 : i32
        scf.if %cond3A_157 {
          %dma_start3A = arith.constant 0 : i32
          %dma_start3A_158 = tpu.memref_slice %arg12[%add3A_128, %dma_start3A] : memref<250x40xi32, #tpu.memory_space<vmem>> -> memref<1x40xi32, #tpu.memory_space<vmem>>
          %dma_start3A_159 = tpu.memref_squeeze %dma_start3A_158 : memref<1x40xi32, #tpu.memory_space<vmem>> -> memref<40xi32, #tpu.memory_space<vmem>>
          %dma_start3A_160 = arith.constant 0 : i32
          %dma_start3A_161 = arith.constant 0 : i32
          %dma_start3A_162 = tpu.memref_slice %arg3[%dma_start3A_160, %dma_start3A_161] : memref<10000x128xf32, #tpu.memory_space<hbm>> -> memref<10000x128xf32, #tpu.memory_space<hbm>>
          tpu.enqueue_indirect_dma source(%dma_start3A_162 : memref<10000x128xf32, #tpu.memory_space<hbm>>) target(%arg16 : memref<40x128xf32, #tpu.memory_space<vmem>>) offsets(%dma_start3A_159 : memref<40xi32, #tpu.memory_space<vmem>>) semaphore(%arg19 : memref<!tpu.dma_semaphore, #tpu.memory_space<semaphore_mem>>)
        } else {
        }
      } else {
      }
      "tpu.region"() ({
        %run_scoped3A_148 = tpu.sem_alloc : memref<!tpu.dma_semaphore, #tpu.memory_space<semaphore_mem>>
        %dma_start3A = arith.constant 0 : i32
        %dma_start3A_149 = tpu.memref_slice %arg13[%add3A_120, %dma_start3A] : memref<250x40xi32, #tpu.memory_space<vmem>> -> memref<1x40xi32, #tpu.memory_space<vmem>>
        %dma_start3A_150 = tpu.memref_squeeze %dma_start3A_149 : memref<1x40xi32, #tpu.memory_space<vmem>> -> memref<40xi32, #tpu.memory_space<vmem>>
        %dma_start3A_151 = arith.constant 0 : i32
        %dma_start3A_152 = arith.constant 0 : i32
        %dma_start3A_153 = tpu.memref_slice %arg11[%dma_start3A_151, %dma_start3A_152] : memref<10000x128xf32, #tpu.memory_space<vmem_shared>> -> memref<10000x128xf32, #tpu.memory_space<vmem_shared>>
        tpu.enqueue_indirect_dma source(%arg16 : memref<40x128xf32, #tpu.memory_space<vmem>>) target(%dma_start3A_153 : memref<10000x128xf32, #tpu.memory_space<vmem_shared>>) offsets(%dma_start3A_150 : memref<40xi32, #tpu.memory_space<vmem>>) semaphore(%run_scoped3A_148 : memref<!tpu.dma_semaphore, #tpu.memory_space<semaphore_mem>>) {add = true}
        %dma_wait3A_154 = arith.constant 0 : i32
        %dma_wait3A_155 = tpu.memref_slice %arg13[%add3A_120, %dma_wait3A_154] : memref<250x40xi32, #tpu.memory_space<vmem>> -> memref<1x40xi32, #tpu.memory_space<vmem>>
        %dma_wait3A_156 = tpu.memref_squeeze %dma_wait3A_155 : memref<1x40xi32, #tpu.memory_space<vmem>> -> memref<40xi32, #tpu.memory_space<vmem>>
        %dma_wait3A_157 = arith.constant 0 : i32
        %dma_wait3A_158 = arith.constant 0 : i32
        %dma_wait3A_159 = tpu.memref_slice %arg11[%dma_wait3A_157, %dma_wait3A_158] : memref<10000x128xf32, #tpu.memory_space<vmem_shared>> -> memref<10000x128xf32, #tpu.memory_space<vmem_shared>>
        tpu.wait_indirect_dma semaphore(%run_scoped3A_148 : memref<!tpu.dma_semaphore, #tpu.memory_space<semaphore_mem>>) src(%arg16 : memref<40x128xf32, #tpu.memory_space<vmem>>) dst(%dma_wait3A_159 : memref<10000x128xf32, #tpu.memory_space<vmem_shared>>)
        tpu.yield
      }) : () -> ()
      %eq3A_134 = arith.constant 0 : i32
      %eq3A_135 = arith.cmpi eq, %arg0, %eq3A_134 : i32
      %lt3A_136 = arith.constant 125 : i32
      %lt3A_137 = arith.cmpi slt, %add3A_120, %lt3A_136 : i32
      %and3A_138 = arith.andi %eq3A_135, %lt3A_137 : i1
      %eq3A_139 = arith.constant 1 : i32
      %eq3A_140 = arith.cmpi eq, %arg0, %eq3A_139 : i32
      %ge3A_141 = arith.constant 125 : i32
      %ge3A_142 = arith.cmpi sge, %add3A_120, %ge3A_141 : i32
      %and3A_143 = arith.andi %eq3A_140, %ge3A_142 : i1
      %or3A_144 = arith.ori %and3A_138, %and3A_143 : i1
      %convert_element_type3A_145 = arith.extui %or3A_144 : i1 to i32
      %cond3A_146 = arith.constant 0 : i32
      %cond3A_147 = arith.cmpi ne, %convert_element_type3A_145, %cond3A_146 : i32
      scf.if %cond3A_147 {
        "tpu.region"() ({
          %run_scoped3A_148 = tpu.sem_alloc : memref<!tpu.dma_semaphore, #tpu.memory_space<semaphore_mem>>
          %dma_start3A = arith.constant 0 : i32
          %dma_start3A_149 = tpu.memref_slice %arg13[%add3A_120, %dma_start3A] : memref<250x40xi32, #tpu.memory_space<vmem>> -> memref<1x40xi32, #tpu.memory_space<vmem>>
          %dma_start3A_150 = tpu.memref_squeeze %dma_start3A_149 : memref<1x40xi32, #tpu.memory_space<vmem>> -> memref<40xi32, #tpu.memory_space<vmem>>
          %dma_start3A_151 = arith.constant 0 : i32
          %dma_start3A_152 = arith.constant 0 : i32
          %dma_start3A_153 = tpu.memref_slice %arg20[%dma_start3A_151, %dma_start3A_152] : memref<10000x16xf32, #tpu.memory_space<vmem_shared>> -> memref<10000x16xf32, #tpu.memory_space<vmem_shared>>
          tpu.enqueue_indirect_dma source(%arg21 : memref<40x16xf32, #tpu.memory_space<vmem>>) target(%dma_start3A_153 : memref<10000x16xf32, #tpu.memory_space<vmem_shared>>) offsets(%dma_start3A_150 : memref<40xi32, #tpu.memory_space<vmem>>) semaphore(%run_scoped3A_148 : memref<!tpu.dma_semaphore, #tpu.memory_space<semaphore_mem>>) {add = true}
          %dma_wait3A_154 = arith.constant 0 : i32
          %dma_wait3A_155 = tpu.memref_slice %arg13[%add3A_120, %dma_wait3A_154] : memref<250x40xi32, #tpu.memory_space<vmem>> -> memref<1x40xi32, #tpu.memory_space<vmem>>
          %dma_wait3A_156 = tpu.memref_squeeze %dma_wait3A_155 : memref<1x40xi32, #tpu.memory_space<vmem>> -> memref<40xi32, #tpu.memory_space<vmem>>
          %dma_wait3A_157 = arith.constant 0 : i32
          %dma_wait3A_158 = arith.constant 0 : i32
          %dma_wait3A_159 = tpu.memref_slice %arg20[%dma_wait3A_157, %dma_wait3A_158] : memref<10000x16xf32, #tpu.memory_space<vmem_shared>> -> memref<10000x16xf32, #tpu.memory_space<vmem_shared>>
          tpu.wait_indirect_dma semaphore(%run_scoped3A_148 : memref<!tpu.dma_semaphore, #tpu.memory_space<semaphore_mem>>) src(%arg21 : memref<40x16xf32, #tpu.memory_space<vmem>>) dst(%dma_wait3A_159 : memref<10000x16xf32, #tpu.memory_space<vmem_shared>>)
          tpu.yield
        }) : () -> ()
      } else {
      }
    }
    %scan3A_33 = arith.constant 83 : i32
    %dma_wait3A = arith.constant 249 : i32
    %dma_wait3A_34 = arith.constant 0 : i32
    %dma_wait3A_35 = tpu.memref_slice %arg12[%dma_wait3A, %dma_wait3A_34] : memref<250x40xi32, #tpu.memory_space<vmem>> -> memref<1x40xi32, #tpu.memory_space<vmem>>
    %dma_wait3A_36 = tpu.memref_squeeze %dma_wait3A_35 : memref<1x40xi32, #tpu.memory_space<vmem>> -> memref<40xi32, #tpu.memory_space<vmem>>
    %dma_wait3A_37 = arith.constant 0 : i32
    %dma_wait3A_38 = arith.constant 0 : i32
    %dma_wait3A_39 = tpu.memref_slice %arg2[%dma_wait3A_37, %dma_wait3A_38] : memref<10000x128xf32, #tpu.memory_space<hbm>> -> memref<10000x128xf32, #tpu.memory_space<hbm>>
    tpu.wait_indirect_dma semaphore(%arg17 : memref<!tpu.dma_semaphore, #tpu.memory_space<semaphore_mem>>) src(%dma_wait3A_39 : memref<10000x128xf32, #tpu.memory_space<hbm>>) dst(%arg14 : memref<40x128xf32, #tpu.memory_space<vmem>>)
    %run_scoped3A = arith.constant 249 : i32
    "tpu.region"() ({
      %run_scoped3A_59 = tpu.sem_alloc : memref<!tpu.dma_semaphore, #tpu.memory_space<semaphore_mem>>
      %dma_start3A = arith.constant 0 : i32
      %dma_start3A_60 = tpu.memref_slice %arg13[%run_scoped3A, %dma_start3A] : memref<250x40xi32, #tpu.memory_space<vmem>> -> memref<1x40xi32, #tpu.memory_space<vmem>>
      %dma_start3A_61 = tpu.memref_squeeze %dma_start3A_60 : memref<1x40xi32, #tpu.memory_space<vmem>> -> memref<40xi32, #tpu.memory_space<vmem>>
      %dma_start3A_62 = arith.constant 0 : i32
      %dma_start3A_63 = arith.constant 0 : i32
      %dma_start3A_64 = tpu.memref_slice %arg11[%dma_start3A_62, %dma_start3A_63] : memref<10000x128xf32, #tpu.memory_space<vmem_shared>> -> memref<10000x128xf32, #tpu.memory_space<vmem_shared>>
      tpu.enqueue_indirect_dma source(%arg14 : memref<40x128xf32, #tpu.memory_space<vmem>>) target(%dma_start3A_64 : memref<10000x128xf32, #tpu.memory_space<vmem_shared>>) offsets(%dma_start3A_61 : memref<40xi32, #tpu.memory_space<vmem>>) semaphore(%run_scoped3A_59 : memref<!tpu.dma_semaphore, #tpu.memory_space<semaphore_mem>>) {add = true}
      %dma_wait3A_65 = arith.constant 0 : i32
      %dma_wait3A_66 = tpu.memref_slice %arg13[%run_scoped3A, %dma_wait3A_65] : memref<250x40xi32, #tpu.memory_space<vmem>> -> memref<1x40xi32, #tpu.memory_space<vmem>>
      %dma_wait3A_67 = tpu.memref_squeeze %dma_wait3A_66 : memref<1x40xi32, #tpu.memory_space<vmem>> -> memref<40xi32, #tpu.memory_space<vmem>>
      %dma_wait3A_68 = arith.constant 0 : i32
      %dma_wait3A_69 = arith.constant 0 : i32
      %dma_wait3A_70 = tpu.memref_slice %arg11[%dma_wait3A_68, %dma_wait3A_69] : memref<10000x128xf32, #tpu.memory_space<vmem_shared>> -> memref<10000x128xf32, #tpu.memory_space<vmem_shared>>
      tpu.wait_indirect_dma semaphore(%run_scoped3A_59 : memref<!tpu.dma_semaphore, #tpu.memory_space<semaphore_mem>>) src(%arg14 : memref<40x128xf32, #tpu.memory_space<vmem>>) dst(%dma_wait3A_70 : memref<10000x128xf32, #tpu.memory_space<vmem_shared>>)
      tpu.yield
    }) : () -> ()
    %eq3A_40 = arith.constant 0 : i32
    %eq3A_41 = arith.cmpi eq, %arg0, %eq3A_40 : i32
    %and3A = arith.constant false
    %and3A_42 = arith.andi %eq3A_41, %and3A : i1
    %eq3A_43 = arith.constant 1 : i32
    %eq3A_44 = arith.cmpi eq, %arg0, %eq3A_43 : i32
    %and3A_45 = arith.constant true
    %and3A_46 = arith.andi %eq3A_44, %and3A_45 : i1
    %or3A = arith.ori %and3A_42, %and3A_46 : i1
    %convert_element_type3A_47 = arith.extui %or3A : i1 to i32
    %cond3A_48 = arith.constant 0 : i32
    %cond3A_49 = arith.cmpi ne, %convert_element_type3A_47, %cond3A_48 : i32
    scf.if %cond3A_49 {
      %run_scoped3A_59 = arith.constant 249 : i32
      "tpu.region"() ({
        %run_scoped3A_60 = tpu.sem_alloc : memref<!tpu.dma_semaphore, #tpu.memory_space<semaphore_mem>>
        %dma_start3A = arith.constant 0 : i32
        %dma_start3A_61 = tpu.memref_slice %arg13[%run_scoped3A_59, %dma_start3A] : memref<250x40xi32, #tpu.memory_space<vmem>> -> memref<1x40xi32, #tpu.memory_space<vmem>>
        %dma_start3A_62 = tpu.memref_squeeze %dma_start3A_61 : memref<1x40xi32, #tpu.memory_space<vmem>> -> memref<40xi32, #tpu.memory_space<vmem>>
        %dma_start3A_63 = arith.constant 0 : i32
        %dma_start3A_64 = arith.constant 0 : i32
        %dma_start3A_65 = tpu.memref_slice %arg20[%dma_start3A_63, %dma_start3A_64] : memref<10000x16xf32, #tpu.memory_space<vmem_shared>> -> memref<10000x16xf32, #tpu.memory_space<vmem_shared>>
        tpu.enqueue_indirect_dma source(%arg21 : memref<40x16xf32, #tpu.memory_space<vmem>>) target(%dma_start3A_65 : memref<10000x16xf32, #tpu.memory_space<vmem_shared>>) offsets(%dma_start3A_62 : memref<40xi32, #tpu.memory_space<vmem>>) semaphore(%run_scoped3A_60 : memref<!tpu.dma_semaphore, #tpu.memory_space<semaphore_mem>>) {add = true}
        %dma_wait3A_66 = arith.constant 0 : i32
        %dma_wait3A_67 = tpu.memref_slice %arg13[%run_scoped3A_59, %dma_wait3A_66] : memref<250x40xi32, #tpu.memory_space<vmem>> -> memref<1x40xi32, #tpu.memory_space<vmem>>
        %dma_wait3A_68 = tpu.memref_squeeze %dma_wait3A_67 : memref<1x40xi32, #tpu.memory_space<vmem>> -> memref<40xi32, #tpu.memory_space<vmem>>
        %dma_wait3A_69 = arith.constant 0 : i32
        %dma_wait3A_70 = arith.constant 0 : i32
        %dma_wait3A_71 = tpu.memref_slice %arg20[%dma_wait3A_69, %dma_wait3A_70] : memref<10000x16xf32, #tpu.memory_space<vmem_shared>> -> memref<10000x16xf32, #tpu.memory_space<vmem_shared>>
        tpu.wait_indirect_dma semaphore(%run_scoped3A_60 : memref<!tpu.dma_semaphore, #tpu.memory_space<semaphore_mem>>) src(%arg21 : memref<40x16xf32, #tpu.memory_space<vmem>>) dst(%dma_wait3A_71 : memref<10000x16xf32, #tpu.memory_space<vmem_shared>>)
        tpu.yield
      }) : () -> ()
    } else {
    }
    %barrier3A_50 = arith.constant 0 : index
    tpu.barrier barrier_id(%barrier3A_50)
    %mul3A_51 = arith.constant 625 : i32
    %mul3A_52 = arith.muli %arg1, %mul3A_51 : i32
    %mul3A_53 = arith.constant 625 : i32
    %mul3A_54 = arith.muli %arg1, %mul3A_53 : i32
    "tpu.region"() ({
      %run_scoped3A_59 = tpu.sem_alloc : memref<!tpu.dma_semaphore, #tpu.memory_space<semaphore_mem>>
      %dma_start3A = arith.constant 0 : i32
      %dma_start3A_60 = tpu.memref_slice %arg9[%arg0, %mul3A_54, %dma_start3A] : memref<2x10000x128xf32, #tpu.memory_space<hbm>> -> memref<1x625x128xf32, #tpu.memory_space<hbm>>
      %dma_start3A_61 = tpu.memref_squeeze %dma_start3A_60 : memref<1x625x128xf32, #tpu.memory_space<hbm>> -> memref<625x128xf32, #tpu.memory_space<hbm>>
      %dma_start3A_62 = arith.constant 0 : i32
      %dma_start3A_63 = tpu.memref_slice %arg11[%mul3A_52, %dma_start3A_62] : memref<10000x128xf32, #tpu.memory_space<vmem_shared>> -> memref<625x128xf32, #tpu.memory_space<vmem_shared>>
      tpu.enqueue_dma source(%dma_start3A_63 : memref<625x128xf32, #tpu.memory_space<vmem_shared>>) target(%dma_start3A_61 : memref<625x128xf32, #tpu.memory_space<hbm>>) target_semaphore(%run_scoped3A_59 : memref<!tpu.dma_semaphore, #tpu.memory_space<semaphore_mem>>)
      %dma_wait3A_64 = arith.constant 0 : i32
      %dma_wait3A_65 = tpu.memref_slice %arg9[%arg0, %mul3A_54, %dma_wait3A_64] : memref<2x10000x128xf32, #tpu.memory_space<hbm>> -> memref<1x625x128xf32, #tpu.memory_space<hbm>>
      %dma_wait3A_66 = tpu.memref_squeeze %dma_wait3A_65 : memref<1x625x128xf32, #tpu.memory_space<hbm>> -> memref<625x128xf32, #tpu.memory_space<hbm>>
      %dma_wait3A_67 = arith.constant 0 : i32
      %dma_wait3A_68 = tpu.memref_slice %arg11[%mul3A_52, %dma_wait3A_67] : memref<10000x128xf32, #tpu.memory_space<vmem_shared>> -> memref<625x128xf32, #tpu.memory_space<vmem_shared>>
      tpu.wait_dma2 semaphore(%run_scoped3A_59 : memref<!tpu.dma_semaphore, #tpu.memory_space<semaphore_mem>>) src(%dma_wait3A_68 : memref<625x128xf32, #tpu.memory_space<vmem_shared>>) dst(%dma_wait3A_66 : memref<625x128xf32, #tpu.memory_space<hbm>>)
      tpu.yield
    }) : () -> ()
    %mul3A_55 = arith.constant 625 : i32
    %mul3A_56 = arith.muli %arg1, %mul3A_55 : i32
    %mul3A_57 = arith.constant 625 : i32
    %mul3A_58 = arith.muli %arg1, %mul3A_57 : i32
    "tpu.region"() ({
      %run_scoped3A_59 = tpu.sem_alloc : memref<!tpu.dma_semaphore, #tpu.memory_space<semaphore_mem>>
      %dma_start3A = arith.constant 0 : i32
      %dma_start3A_60 = tpu.memref_slice %arg10[%arg0, %mul3A_58, %dma_start3A] : memref<2x10000x16xf32, #tpu.memory_space<hbm>> -> memref<1x625x16xf32, #tpu.memory_space<hbm>>
      %dma_start3A_61 = tpu.memref_squeeze %dma_start3A_60 : memref<1x625x16xf32, #tpu.memory_space<hbm>> -> memref<625x16xf32, #tpu.memory_space<hbm>>
      %dma_start3A_62 = arith.constant 0 : i32
      %dma_start3A_63 = tpu.memref_slice %arg20[%mul3A_56, %dma_start3A_62] : memref<10000x16xf32, #tpu.memory_space<vmem_shared>> -> memref<625x16xf32, #tpu.memory_space<vmem_shared>>
      tpu.enqueue_dma source(%dma_start3A_63 : memref<625x16xf32, #tpu.memory_space<vmem_shared>>) target(%dma_start3A_61 : memref<625x16xf32, #tpu.memory_space<hbm>>) target_semaphore(%run_scoped3A_59 : memref<!tpu.dma_semaphore, #tpu.memory_space<semaphore_mem>>)
      %dma_wait3A_64 = arith.constant 0 : i32
      %dma_wait3A_65 = tpu.memref_slice %arg10[%arg0, %mul3A_58, %dma_wait3A_64] : memref<2x10000x16xf32, #tpu.memory_space<hbm>> -> memref<1x625x16xf32, #tpu.memory_space<hbm>>
      %dma_wait3A_66 = tpu.memref_squeeze %dma_wait3A_65 : memref<1x625x16xf32, #tpu.memory_space<hbm>> -> memref<625x16xf32, #tpu.memory_space<hbm>>
      %dma_wait3A_67 = arith.constant 0 : i32
      %dma_wait3A_68 = tpu.memref_slice %arg20[%mul3A_56, %dma_wait3A_67] : memref<10000x16xf32, #tpu.memory_space<vmem_shared>> -> memref<625x16xf32, #tpu.memory_space<vmem_shared>>
      tpu.wait_dma2 semaphore(%run_scoped3A_59 : memref<!tpu.dma_semaphore, #tpu.memory_space<semaphore_mem>>) src(%dma_wait3A_68 : memref<625x16xf32, #tpu.memory_space<vmem_shared>>) dst(%dma_wait3A_66 : memref<625x16xf32, #tpu.memory_space<hbm>>)
      tpu.yield
    }) : () -> ()
    return
  }
}

module attributes {stable_mosaic.version = 14 : i64} {
  func.func @_dense0_body(%arg0: i32, %arg1: memref<2x1000x128xf32, #tpu.memory_space<vmem>>, %arg2: memref<2x1000x16xf32, #tpu.memory_space<vmem>>, %arg3: memref<1000x256xf32, #tpu.memory_space<vmem>>, %arg4: memref<256x256xf32, #tpu.memory_space<vmem>>, %arg5: memref<256x256xf32, #tpu.memory_space<vmem>>, %arg6: memref<1x256xf32, #tpu.memory_space<vmem>>, %arg7: memref<256x48xf32, #tpu.memory_space<vmem>>, %arg8: memref<256x48xf32, #tpu.memory_space<vmem>>, %arg9: memref<1000x48xf32, #tpu.memory_space<vmem>>, %arg10: memref<1000x48xf32, #tpu.memory_space<vmem>>) attributes {dimension_semantics = [#tpu.dimension_semantics<arbitrary>], iteration_bounds = array<i64: 10>, scalar_prefetch = 0 : i64, scratch_operands = 0 : i64, tpu.core_type = #tpu.core_type<tc>, window_params = [{transform_indices = @transform_0, window_bounds = array<i64: 2, 1000, 128>}, {transform_indices = @transform_1, window_bounds = array<i64: 2, 1000, 16>}, {transform_indices = @transform_2, window_bounds = array<i64: 1000, 256>}, {pipeline_mode = #tpu.pipeline_mode<synchronous>, transform_indices = @transform_3, window_bounds = array<i64: 256, 256>}, {pipeline_mode = #tpu.pipeline_mode<synchronous>, transform_indices = @transform_4, window_bounds = array<i64: 256, 256>}, {pipeline_mode = #tpu.pipeline_mode<synchronous>, transform_indices = @transform_5, window_bounds = array<i64: 1, 256>}, {pipeline_mode = #tpu.pipeline_mode<synchronous>, transform_indices = @transform_6, window_bounds = array<i64: 256, 48>}, {pipeline_mode = #tpu.pipeline_mode<synchronous>, transform_indices = @transform_7, window_bounds = array<i64: 256, 48>}, {transform_indices = @transform_8, window_bounds = array<i64: 1000, 48>}, {transform_indices = @transform_9, window_bounds = array<i64: 1000, 48>}]} {
    %get3A = arith.constant 0 : index
    %get3A_0 = arith.constant 0 : index
    %get3A_1 = arith.constant 0 : index
    %get3A_2 = vector.load %arg1[%get3A, %get3A_0, %get3A_1] : memref<2x1000x128xf32, #tpu.memory_space<vmem>>, vector<1x1000x128xf32>
    %get3A_3 = vector.shape_cast %get3A_2 : vector<1x1000x128xf32> to vector<1000x128xf32>
    %get3A_4 = arith.constant 0 : index
    %get3A_5 = arith.constant 0 : index
    %get3A_6 = vector.load %arg4[%get3A_4, %get3A_5] : memref<256x256xf32, #tpu.memory_space<vmem>>, vector<128x256xf32>
    %dot_general3A = arith.constant dense<0.000000e+00> : vector<1000x256xf32>
    %dot_general3A_7 = tpu.matmul %get3A_3, %get3A_6, %dot_general3A {dimension_numbers = #tpu.dot_dimension_numbers<[1], [0], [0], [1], [0, 0, 1, 1], [], []>, transpose_lhs_hint = false} : vector<1000x128xf32>, vector<128x256xf32>, vector<1000x256xf32> -> vector<1000x256xf32>
    %get3A_8 = arith.constant 1 : index
    %get3A_9 = arith.constant 0 : index
    %get3A_10 = arith.constant 0 : index
    %get3A_11 = vector.load %arg1[%get3A_8, %get3A_9, %get3A_10] : memref<2x1000x128xf32, #tpu.memory_space<vmem>>, vector<1x1000x128xf32>
    %get3A_12 = vector.shape_cast %get3A_11 : vector<1x1000x128xf32> to vector<1000x128xf32>
    %get3A_13 = arith.constant 128 : index
    %get3A_14 = arith.constant 0 : index
    %get3A_15 = vector.load %arg4[%get3A_13, %get3A_14] : memref<256x256xf32, #tpu.memory_space<vmem>>, vector<128x256xf32>
    %dot_general3A_16 = arith.constant dense<0.000000e+00> : vector<1000x256xf32>
    %dot_general3A_17 = tpu.matmul %get3A_12, %get3A_15, %dot_general3A_16 {dimension_numbers = #tpu.dot_dimension_numbers<[1], [0], [0], [1], [0, 0, 1, 1], [], []>, transpose_lhs_hint = false} : vector<1000x128xf32>, vector<128x256xf32>, vector<1000x256xf32> -> vector<1000x256xf32>
    %add3A = arith.addf %dot_general3A_7, %dot_general3A_17 : vector<1000x256xf32>
    %get3A_18 = arith.constant 0 : index
    %get3A_19 = arith.constant 0 : index
    %get3A_20 = arith.constant 0 : index
    %get3A_21 = vector.load %arg2[%get3A_18, %get3A_19, %get3A_20] : memref<2x1000x16xf32, #tpu.memory_space<vmem>>, vector<1x1000x16xf32>
    %get3A_22 = vector.shape_cast %get3A_21 : vector<1x1000x16xf32> to vector<1000x16xf32>
    %get3A_23 = arith.constant 1 : index
    %get3A_24 = arith.constant 0 : index
    %get3A_25 = arith.constant 0 : index
    %get3A_26 = vector.load %arg2[%get3A_23, %get3A_24, %get3A_25] : memref<2x1000x16xf32, #tpu.memory_space<vmem>>, vector<1x1000x16xf32>
    %get3A_27 = vector.shape_cast %get3A_26 : vector<1x1000x16xf32> to vector<1000x16xf32>
    %add3A_28 = arith.addf %get3A_22, %get3A_27 : vector<1000x16xf32>
    %reduce_max3A = arith.constant dense<0xFF800000> : vector<1000xf32>
    %reduce_max3A_29 = vector.multi_reduction <maximumf>, %add3A_28, %reduce_max3A [1] : vector<1000x16xf32> to vector<1000xf32>
    %broadcast_in_dim3A = vector.shape_cast %reduce_max3A_29 : vector<1000xf32> to vector<1000x1xf32>
    %max3A = arith.constant 1.000000e+00 : f32
    %max3A_30 = vector.broadcast %max3A : f32 to vector<1000x1xf32>
    %max3A_31 = arith.maximumf %broadcast_in_dim3A, %max3A_30 : vector<1000x1xf32>
    %div3A = arith.constant 1.000000e+00 : f32
    %div3A_32 = vector.broadcast %div3A : f32 to vector<1000x1xf32>
    %div3A_33 = arith.divf %div3A_32, %max3A_31 : vector<1000x1xf32>
    %mul3A = vector.broadcast %div3A_33 : vector<1000x1xf32> to vector<1000x256xf32>
    %mul3A_34 = arith.mulf %add3A, %mul3A : vector<1000x256xf32>
    %get3A_35 = arith.constant 0 : index
    %get3A_36 = arith.constant 0 : index
    %get3A_37 = vector.load %arg3[%get3A_35, %get3A_36] : memref<1000x256xf32, #tpu.memory_space<vmem>>, vector<1000x256xf32>
    %get3A_38 = arith.constant 0 : index
    %get3A_39 = arith.constant 0 : index
    %get3A_40 = vector.load %arg5[%get3A_38, %get3A_39] : memref<256x256xf32, #tpu.memory_space<vmem>>, vector<256x256xf32>
    %dot_general3A_41 = arith.constant dense<0.000000e+00> : vector<1000x256xf32>
    %dot_general3A_42 = tpu.matmul %get3A_37, %get3A_40, %dot_general3A_41 {dimension_numbers = #tpu.dot_dimension_numbers<[1], [0], [0], [1], [0, 0, 1, 1], [], []>, transpose_lhs_hint = false} : vector<1000x256xf32>, vector<256x256xf32>, vector<1000x256xf32> -> vector<1000x256xf32>
    %add3A_43 = arith.addf %mul3A_34, %dot_general3A_42 : vector<1000x256xf32>
    %get3A_44 = arith.constant 0 : index
    %get3A_45 = arith.constant 0 : index
    %get3A_46 = vector.load %arg6[%get3A_44, %get3A_45] : memref<1x256xf32, #tpu.memory_space<vmem>>, vector<1x256xf32>
    %add3A_47 = vector.broadcast %get3A_46 : vector<1x256xf32> to vector<1000x256xf32>
    %add3A_48 = arith.addf %add3A_43, %add3A_47 : vector<1000x256xf32>
    %max3A_49 = arith.constant 0.000000e+00 : f32
    %max3A_50 = vector.broadcast %max3A_49 : f32 to vector<1000x256xf32>
    %max3A_51 = arith.maximumf %add3A_48, %max3A_50 : vector<1000x256xf32>
    %get3A_52 = arith.constant 0 : index
    %get3A_53 = arith.constant 0 : index
    %get3A_54 = vector.load %arg7[%get3A_52, %get3A_53] : memref<256x48xf32, #tpu.memory_space<vmem>>, vector<256x48xf32>
    %dot_general3A_55 = arith.constant dense<0.000000e+00> : vector<1000x48xf32>
    %dot_general3A_56 = tpu.matmul %max3A_51, %get3A_54, %dot_general3A_55 {dimension_numbers = #tpu.dot_dimension_numbers<[1], [0], [0], [1], [0, 0, 1, 1], [], []>, transpose_lhs_hint = false} : vector<1000x256xf32>, vector<256x48xf32>, vector<1000x48xf32> -> vector<1000x48xf32>
    %swap3A = arith.constant 0 : index
    %swap3A_57 = arith.constant 0 : index
    %swap3A_58 = vector.load %arg9[%swap3A, %swap3A_57] : memref<1000x48xf32, #tpu.memory_space<vmem>>, vector<1000x48xf32>
    tpu.vector_store %arg9[%swap3A, %swap3A_57], %dot_general3A_56 {strides = array<i32>} : memref<1000x48xf32, #tpu.memory_space<vmem>>, vector<1000x48xf32>,
    %get3A_59 = arith.constant 0 : index
    %get3A_60 = arith.constant 0 : index
    %get3A_61 = vector.load %arg8[%get3A_59, %get3A_60] : memref<256x48xf32, #tpu.memory_space<vmem>>, vector<256x48xf32>
    %dot_general3A_62 = arith.constant dense<0.000000e+00> : vector<1000x48xf32>
    %dot_general3A_63 = tpu.matmul %max3A_51, %get3A_61, %dot_general3A_62 {dimension_numbers = #tpu.dot_dimension_numbers<[1], [0], [0], [1], [0, 0, 1, 1], [], []>, transpose_lhs_hint = false} : vector<1000x256xf32>, vector<256x48xf32>, vector<1000x48xf32> -> vector<1000x48xf32>
    %swap3A_64 = arith.constant 0 : index
    %swap3A_65 = arith.constant 0 : index
    %swap3A_66 = vector.load %arg10[%swap3A_64, %swap3A_65] : memref<1000x48xf32, #tpu.memory_space<vmem>>, vector<1000x48xf32>
    tpu.vector_store %arg10[%swap3A_64, %swap3A_65], %dot_general3A_63 {strides = array<i32>} : memref<1000x48xf32, #tpu.memory_space<vmem>>, vector<1000x48xf32>,
    return
  }
  func.func @transform_0(%arg0: i32) -> (i32, i32, i32) {
    %c0_i32 = arith.constant 0 : i32
    %c0_i32_0 = arith.constant 0 : i32
    %c0_i32_1 = arith.constant 0 : i32
    return %c0_i32, %arg0, %c0_i32_0 : i32, i32, i32
  }
  func.func @transform_1(%arg0: i32) -> (i32, i32, i32) {
    %c0_i32 = arith.constant 0 : i32
    %c0_i32_0 = arith.constant 0 : i32
    %c0_i32_1 = arith.constant 0 : i32
    return %c0_i32, %arg0, %c0_i32_0 : i32, i32, i32
  }
  func.func @transform_2(%arg0: i32) -> (i32, i32) {
    %c0_i32 = arith.constant 0 : i32
    %c0_i32_0 = arith.constant 0 : i32
    return %arg0, %c0_i32 : i32, i32
  }
  func.func @transform_3(%arg0: i32) -> (i32, i32) {
    %c0_i32 = arith.constant 0 : i32
    %c0_i32_0 = arith.constant 0 : i32
    %c0_i32_1 = arith.constant 0 : i32
    return %c0_i32, %c0_i32_0 : i32, i32
  }
  func.func @transform_4(%arg0: i32) -> (i32, i32) {
    %c0_i32 = arith.constant 0 : i32
    %c0_i32_0 = arith.constant 0 : i32
    %c0_i32_1 = arith.constant 0 : i32
    return %c0_i32, %c0_i32_0 : i32, i32
  }
  func.func @transform_5(%arg0: i32) -> (i32, i32) {
    %c0_i32 = arith.constant 0 : i32
    %c0_i32_0 = arith.constant 0 : i32
    %c0_i32_1 = arith.constant 0 : i32
    return %c0_i32, %c0_i32_0 : i32, i32
  }
  func.func @transform_6(%arg0: i32) -> (i32, i32) {
    %c0_i32 = arith.constant 0 : i32
    %c0_i32_0 = arith.constant 0 : i32
    %c0_i32_1 = arith.constant 0 : i32
    return %c0_i32, %c0_i32_0 : i32, i32
  }
  func.func @transform_7(%arg0: i32) -> (i32, i32) {
    %c0_i32 = arith.constant 0 : i32
    %c0_i32_0 = arith.constant 0 : i32
    %c0_i32_1 = arith.constant 0 : i32
    return %c0_i32, %c0_i32_0 : i32, i32
  }
  func.func @transform_8(%arg0: i32) -> (i32, i32) {
    %c0_i32 = arith.constant 0 : i32
    %c0_i32_0 = arith.constant 0 : i32
    return %arg0, %c0_i32 : i32, i32
  }
  func.func @transform_9(%arg0: i32) -> (i32, i32) {
    %c0_i32 = arith.constant 0 : i32
    %c0_i32_0 = arith.constant 0 : i32
    return %arg0, %c0_i32 : i32, i32
  }
}

module attributes {stable_mosaic.version = 14 : i64} {
  func.func @_dense1_body(%arg0: i32, %arg1: memref<2x1000x48xf32, #tpu.memory_space<vmem>>, %arg2: memref<2x1000x16xf32, #tpu.memory_space<vmem>>, %arg3: memref<1000x48xf32, #tpu.memory_space<vmem>>, %arg4: memref<1x48xf32, #tpu.memory_space<vmem>>, %arg5: memref<1000x40xf32, #tpu.memory_space<vmem>>) attributes {dimension_semantics = [#tpu.dimension_semantics<arbitrary>], iteration_bounds = array<i64: 10>, scalar_prefetch = 0 : i64, scratch_operands = 0 : i64, tpu.core_type = #tpu.core_type<tc>, window_params = [{transform_indices = @transform_0, window_bounds = array<i64: 2, 1000, 48>}, {transform_indices = @transform_1, window_bounds = array<i64: 2, 1000, 16>}, {transform_indices = @transform_2, window_bounds = array<i64: 1000, 48>}, {pipeline_mode = #tpu.pipeline_mode<synchronous>, transform_indices = @transform_3, window_bounds = array<i64: 1, 48>}, {transform_indices = @transform_4, window_bounds = array<i64: 1000, 40>}]} {
    %get3A = arith.constant 0 : index
    %get3A_0 = arith.constant 0 : index
    %get3A_1 = arith.constant 0 : index
    %get3A_2 = vector.load %arg1[%get3A, %get3A_0, %get3A_1] : memref<2x1000x48xf32, #tpu.memory_space<vmem>>, vector<1x1000x48xf32>
    %get3A_3 = vector.shape_cast %get3A_2 : vector<1x1000x48xf32> to vector<1000x48xf32>
    %get3A_4 = arith.constant 1 : index
    %get3A_5 = arith.constant 0 : index
    %get3A_6 = arith.constant 0 : index
    %get3A_7 = vector.load %arg1[%get3A_4, %get3A_5, %get3A_6] : memref<2x1000x48xf32, #tpu.memory_space<vmem>>, vector<1x1000x48xf32>
    %get3A_8 = vector.shape_cast %get3A_7 : vector<1x1000x48xf32> to vector<1000x48xf32>
    %add3A = arith.addf %get3A_3, %get3A_8 : vector<1000x48xf32>
    %get3A_9 = arith.constant 0 : index
    %get3A_10 = arith.constant 0 : index
    %get3A_11 = arith.constant 0 : index
    %get3A_12 = vector.load %arg2[%get3A_9, %get3A_10, %get3A_11] : memref<2x1000x16xf32, #tpu.memory_space<vmem>>, vector<1x1000x16xf32>
    %get3A_13 = vector.shape_cast %get3A_12 : vector<1x1000x16xf32> to vector<1000x16xf32>
    %get3A_14 = arith.constant 1 : index
    %get3A_15 = arith.constant 0 : index
    %get3A_16 = arith.constant 0 : index
    %get3A_17 = vector.load %arg2[%get3A_14, %get3A_15, %get3A_16] : memref<2x1000x16xf32, #tpu.memory_space<vmem>>, vector<1x1000x16xf32>
    %get3A_18 = vector.shape_cast %get3A_17 : vector<1x1000x16xf32> to vector<1000x16xf32>
    %add3A_19 = arith.addf %get3A_13, %get3A_18 : vector<1000x16xf32>
    %reduce_max3A = arith.constant dense<0xFF800000> : vector<1000xf32>
    %reduce_max3A_20 = vector.multi_reduction <maximumf>, %add3A_19, %reduce_max3A [1] : vector<1000x16xf32> to vector<1000xf32>
    %broadcast_in_dim3A = vector.shape_cast %reduce_max3A_20 : vector<1000xf32> to vector<1000x1xf32>
    %max3A = arith.constant 1.000000e+00 : f32
    %max3A_21 = vector.broadcast %max3A : f32 to vector<1000x1xf32>
    %max3A_22 = arith.maximumf %broadcast_in_dim3A, %max3A_21 : vector<1000x1xf32>
    %div3A = arith.constant 1.000000e+00 : f32
    %div3A_23 = vector.broadcast %div3A : f32 to vector<1000x1xf32>
    %div3A_24 = arith.divf %div3A_23, %max3A_22 : vector<1000x1xf32>
    %mul3A = vector.broadcast %div3A_24 : vector<1000x1xf32> to vector<1000x48xf32>
    %mul3A_25 = arith.mulf %add3A, %mul3A : vector<1000x48xf32>
    %get3A_26 = arith.constant 0 : index
    %get3A_27 = arith.constant 0 : index
    %get3A_28 = vector.load %arg3[%get3A_26, %get3A_27] : memref<1000x48xf32, #tpu.memory_space<vmem>>, vector<1000x48xf32>
    %add3A_29 = arith.addf %mul3A_25, %get3A_28 : vector<1000x48xf32>
    %get3A_30 = arith.constant 0 : index
    %get3A_31 = arith.constant 0 : index
    %get3A_32 = vector.load %arg4[%get3A_30, %get3A_31] : memref<1x48xf32, #tpu.memory_space<vmem>>, vector<1x48xf32>
    %add3A_33 = vector.broadcast %get3A_32 : vector<1x48xf32> to vector<1000x48xf32>
    %add3A_34 = arith.addf %add3A_29, %add3A_33 : vector<1000x48xf32>
    %slice3A = vector.extract_strided_slice %add3A_34 {offsets = [0, 0], sizes = [1000, 40], strides = [1, 1]} : vector<1000x48xf32> to vector<1000x40xf32>
    %swap3A = arith.constant 0 : index
    %swap3A_35 = arith.constant 0 : index
    %swap3A_36 = vector.load %arg5[%swap3A, %swap3A_35] : memref<1000x40xf32, #tpu.memory_space<vmem>>, vector<1000x40xf32>
    tpu.vector_store %arg5[%swap3A, %swap3A_35], %slice3A {strides = array<i32>} : memref<1000x40xf32, #tpu.memory_space<vmem>>, vector<1000x40xf32>,
    return
  }
  func.func @transform_0(%arg0: i32) -> (i32, i32, i32) {
    %c0_i32 = arith.constant 0 : i32
    %c0_i32_0 = arith.constant 0 : i32
    %c0_i32_1 = arith.constant 0 : i32
    return %c0_i32, %arg0, %c0_i32_0 : i32, i32, i32
  }
  func.func @transform_1(%arg0: i32) -> (i32, i32, i32) {
    %c0_i32 = arith.constant 0 : i32
    %c0_i32_0 = arith.constant 0 : i32
    %c0_i32_1 = arith.constant 0 : i32
    return %c0_i32, %arg0, %c0_i32_0 : i32, i32, i32
  }
  func.func @transform_2(%arg0: i32) -> (i32, i32) {
    %c0_i32 = arith.constant 0 : i32
    %c0_i32_0 = arith.constant 0 : i32
    return %arg0, %c0_i32 : i32, i32
  }
  func.func @transform_3(%arg0: i32) -> (i32, i32) {
    %c0_i32 = arith.constant 0 : i32
    %c0_i32_0 = arith.constant 0 : i32
    %c0_i32_1 = arith.constant 0 : i32
    return %c0_i32, %c0_i32_0 : i32, i32
  }
  func.func @transform_4(%arg0: i32) -> (i32, i32) {
    %c0_i32 = arith.constant 0 : i32
    %c0_i32_0 = arith.constant 0 : i32
    return %arg0, %c0_i32 : i32, i32
  }
}

</mosaic_0001>

<sc_bundles>
// kernel: kernel.6.cloned.1.call-start
scs
__scs_entry_jumppad:
0x0: {  	(pc) =	sbr.rel $0x88, $3  }
0x1: {  	(tag) =	ssettag $0x0;
	lr =	simm.s32 $0x1  }
0x2: {  	[smem:$0x3F96] =	sst lr;
	_ =	strace $0xD0000000  }
0x3: {  	_ = 	snop  }
0x4: {  	_ = 	snop  }
0x5: {  	_ = 	snop  }
0x6: {  	_ = 	snop  }
0x7: {  	_ = 	snop  }
__scs_overlays_trampoline_lowered:
0x8: {  	[smem:$0x3FA5] =	sst s0  }
0x9: {  	[smem:$0x3FA6] =	sst s1  }
0xa: {  	[smem:$0x3FA7] =	sst s2  }
0xb: {  	[smem:$0x3FA8] =	sst s3  }
0xc: {  	[smem:$0x3FA9] =	sst s4  }
0xd: {  	[smem:$0x3FAA] =	sst s5  }
0xe: {  	[smem:$0x3FAB] =	sst s6  }
0xf: {  	[smem:$0x3FAC] =	sst s7  }
0x10: {  	[smem:$0x3FAD] =	sst s8  }
0x11: {  	[smem:$0x3FAE] =	sst s9;
	s0 =	simm.s32 @!p0 $0x0  }
0x12: {  	s1 =	sld [smem:$0x3F94];
	s0 =	simm.s32 @p0 $0x1  }
0x13: {  	[smem:$0x3FAF] =	sst s0;
	s0 =	simm.s32 @!p1 $0x0  }
0x14: {  	s2 =	sld [smem:$0x3F93];
	s0 =	simm.s32 @p1 $0x1  }
0x15: {  	[smem:$0x3FB0] =	sst s0;
	s0 =	simm.s32 @!p2 $0x0  }
0x16: {  	s3 =	sld [smem:$0x3FDB];
	s0 =	simm.s32 @p2 $0x1  }
0x17: {  	s4 =	simm.s32 $0x1BF5;
	[smem:$0x3FB2] =	sst s0  }
0x18: {  	s0 =	sld [smem:$0x3F95];
	_ =	swait.ge [sflag:s4], $0x0  }
0x19: {  	s7 =	sld [smem:$0x3F96]  }
0x1a: {  	s8 =	sadd.s32 $0xFFFFE003, lr  }
0x1b: {  	s9 =	sadd.s32 $0xFFFFFEF7, lr;
	s5 =	simm.s32 $0xFFFFFFFF;
	p2 =	slt.u32 s8, $0xFFFFF086  }
0x1c: {  	p1 =	slt.u32 s9, $0xF7A;
	s5 =	simm.s32 @!p2 $0x0  }
0x1d: {  	s5 =	simm.s32 @p1 $0x1;
	p0 =	seq.s32 s7, s2  }
0x1e: {  	s7 =	smul.u32 @!p0 $0xF7A, s2;
	p2 =	seq.s32 @!p0 s5, $0x0  }
0x1f: {  	s9 =	smul.u32 $0xF7A, s1;
	s8 =	simm.s32 @!p0 $0x1BF5;
	p2 =	por !p2, p0  }
0x20: {  	[sflag:s8] =	ssyncset.s32 @!p0 $0xFFFFF086;
	s6 =	sadd.s32 @!p0 s3, s7;
	s7 =	simm.s32 @!p0 $0x108  }
0x21: {  	s3 =	sadd.s32 s3, s9;
	s6 =	sadd.s32 @!p0 $0x88, s6;
	s7 =	simm.s32 @p2 $0x1082  }
0x22: {  	[simem:s7], [sflag:s8] =	dma.local @!p0 [hbm:s6], $0xF7A  }
0x23: {  	s9 =	sor.u32 $0xD0000000, s2;
	s6 =	simm.s32 $0x108;
	_ =	swait.ge @!p0 [sflag:s8], $0x0  }
0x24: {  	s3 =	sadd.s32 $0x88, s3;
	s6 =	simm.s32 @!p1 $0x1082;
	[sflag:s4] =	ssyncset.s32 $0xFFFFF086  }
0x25: {  	[simem:s6], [sflag:s4] =	dma.local [hbm:s3], $0xF7A  }
0x26: {  	[smem:$0x3F96] =	sst s1;
	(tag) =	ssettag s2;
	_ =	strace s9  }
0x27: {  	s1 =	sld [smem:$0x3FA6]  }
0x28: {  	s2 =	sld [smem:$0x3FA7]  }
0x29: {  	s4 =	sld [smem:$0x3FA9]  }
0x2a: {  	p0 =	seq.s32 s5, $0x0;
	s5 =	sld [smem:$0x3FAA]  }
0x2b: {  	s6 =	sld [smem:$0x3FAB]  }
0x2c: {  	s7 =	sld [smem:$0x3FAC]  }
0x2d: {  	s3 =	simm.s32 $0x108;
	s8 =	sld [smem:$0x3FAD]  }
0x2e: {  	s3 =	simm.s32 @!p0 $0x1082;
	s9 =	sld [smem:$0x3FAE]  }
0x2f: {  	lr =	sadd.s32 s0, s3;
	s0 =	sld [smem:$0x3FA5]  }
0x30: {  	s3 =	sld [smem:$0x3FA8]  }
0x31: {  	[smem:$0x3FB1] =	sst s10  }
0x32: {  	s10 =	sld [smem:$0x3FAF];
	_ =	sdelay $0x3  }
0x33: {  	p0 =	seq.s32 s10, $0x1;
	s10 =	sld [smem:$0x3FB1];
	_ =	sdelay $0x3  }
0x34: {  	[smem:$0x3FB1] =	sst s10  }
0x35: {  	s10 =	sld [smem:$0x3FB0];
	_ =	sdelay $0x3  }
0x36: {  	p1 =	seq.s32 s10, $0x1;
	s10 =	sld [smem:$0x3FB1];
	_ =	sdelay $0x3  }
0x37: {  	[smem:$0x3FB1] =	sst s10  }
0x38: {  	s10 =	sld [smem:$0x3FB2]  }
0x39: {  	_ = 	snop;
	(pc) =	sbr.ind lr, $3  }
0x3a: {  	_ = 	snop  }
0x3b: {  	_ = 	snop  }
0x3c: {  	p2 =	seq.s32 s10, $0x1;
	s10 =	sld [smem:$0x3FB1]  }
0x3d: {  	_ =	shalt  }
0x3e: {  	_ =	shalt  }
0x3f: {  	_ =	shalt  }
0x40: {  	_ =	shalt  }
0x41: {  	_ =	shalt  }
0x42: {  	_ =	shalt  }
0x43: {  	_ =	shalt  }
0x44: {  	_ =	shalt  }
0x45: {  	_ =	shalt  }
0x46: {  	_ =	shalt  }
0x47: {  	_ =	shalt  }
0x48: {  	_ =	shalt  }
0x49: {  	_ =	shalt  }
0x4a: {  	_ =	shalt  }
0x4b: {  	_ =	shalt  }
0x4c: {  	_ =	shalt  }
0x4d: {  	_ =	shalt  }
0x4e: {  	_ =	shalt  }
0x4f: {  	_ =	shalt  }
0x50: {  	_ =	shalt  }
0x51: {  	_ =	shalt  }
0x52: {  	_ =	shalt  }
0x53: {  	_ =	shalt  }
0x54: {  	_ =	shalt  }
0x55: {  	_ =	shalt  }
0x56: {  	_ =	shalt  }
0x57: {  	_ =	shalt  }
0x58: {  	_ =	shalt  }
0x59: {  	_ =	shalt  }
0x5a: {  	_ =	shalt  }
0x5b: {  	_ =	shalt  }
0x5c: {  	_ =	shalt  }
0x5d: {  	_ =	shalt  }
0x5e: {  	_ =	shalt  }
0x5f: {  	_ =	shalt  }
0x60: {  	_ =	shalt  }
0x61: {  	_ =	shalt  }
0x62: {  	_ =	shalt  }
0x63: {  	_ =	shalt  }
0x64: {  	_ =	shalt  }
0x65: {  	_ =	shalt  }
0x66: {  	_ =	shalt  }
0x67: {  	_ =	shalt  }
0x68: {  	_ =	shalt  }
0x69: {  	_ =	shalt  }
0x6a: {  	_ =	shalt  }
0x6b: {  	_ =	shalt  }
0x6c: {  	_ =	shalt  }
0x6d: {  	_ =	shalt  }
0x6e: {  	_ =	shalt  }
0x6f: {  	_ =	shalt  }
0x70: {  	_ =	shalt  }
0x71: {  	_ =	shalt  }
0x72: {  	_ =	shalt  }
0x73: {  	_ =	shalt  }
0x74: {  	_ =	shalt  }
0x75: {  	_ =	shalt  }
0x76: {  	_ =	shalt  }
0x77: {  	_ =	shalt  }
0x78: {  	_ =	shalt  }
0x79: {  	_ =	shalt  }
0x7a: {  	_ =	shalt  }
0x7b: {  	_ =	shalt  }
0x7c: {  	_ =	shalt  }
0x7d: {  	_ =	shalt  }
0x7e: {  	_ =	shalt  }
0x7f: {  	_ =	shalt  }
0x80: {  	_ =	shalt  }
0x81: {  	_ =	shalt  }
0x82: {  	_ =	shalt  }
0x83: {  	_ =	shalt  }
0x84: {  	_ =	shalt  }
0x85: {  	_ =	shalt  }
0x86: {  	_ =	shalt  }
0x87: {  	_ =	shalt  }
.Lfunc_end0:
.L_simem_size_0:
called_computation_lowered:
.L_overlay_start_0:
0x88: {  	s2 =	sld [smem:$0x3FD9]  }
0x89: {  	s3 =	sld [smem:$0x3FFE];
	_ =	sdelay $0x1  }
0x8a: {  	s1 =	srdreg.scid  }
0x8b: {  	s0 =	sand.u32 $0x1, s1  }
0x8c: {  	s17 =	sshll.u32 s0, $0xA;
	s2 =	sadd.s32 s3, s2  }
0x8d: {  	s2 =	sadd.s32 s2, s17  }
0x8e: {  	[smem:$0x3FBD] =	sst s2  }
0x8f: {  	_ = 	snop  }
0x90: {  	s2 =	sld [smem:$0x3FD0];
	(tm) =	ssettm $0x1  }
0x91: {  	s18 =	sld [smem:$0x3FFB];
	_ =	sdelay $0x3  }
0x92: {  	_ =	strace s18  }
0x93: {  	s3 =	sld [smem:$0x3FFC];
	_ =	sdelay $0x3  }
0x94: {  	_ =	strace s3  }
0x95: {  	s3 =	sld [smem:$0x3FFD];
	_ =	sdelay $0x3  }
0x96: {  	_ =	strace s3  }
0x97: {  	_ =	strace $0x8FFFFFFF  }
0x98: {  	s19 =	sld [smem:$0x3FDB];
	_ =	sdelay $0x1  }
0x99: {  	s4 =	simm.s32 $_scs_section_size  }
0x9a: {  	s5 =	simm.s32 $_size__tile_overlayer_lowered;
	s6 =	simm.s32 $_tile_overlayer_lowered  }
0x9b: {  	s22 =	simm.s32 $0x1BFF;
	s21 =	sshll.u32 s6, $0x1;
	s3 =	sadd.s32 s4, s19  }
0x9c: {  	s7 =	simm.s32 $0x0;
	s20 =	sshll.u32 s5, $0x1;
	s5 =	sadd.s32 s21, s3  }
0x9d: {  	[timem:s7], [sflag:s22] =	dma.local [hbm:s5], s20  }
0x9e: {  	_ =	swait.ge [sflag:s22], s20  }
0x9f: {  	s4 =	ssub.s32 $0x0, s20;
	[sflag:s22] =	ssyncset.done $0x0  }
0xa0: {  	[sflag:s22] =	ssyncadd.s32 s4;
	_ =	sdelay $0x1  }
0xa1: {  	s23 =	simm.s32 $0x1B8B  }
0xa2: {  	_ =	swait.ge [sflag:s23], $0x1  }
0xa3: {  	[sflag:s23] =	ssyncset.done $0x0  }
0xa4: {  	s25 =	simm.s32 $0x1B8E;
	s24 =	sld [smem:$0x3FFE];
	[sflag:s23] =	ssyncadd.s32 $0xFFFFFFFF  }
0xa5: {  	s26 =	simm.s32 $execute0_lowered;
	[smem:$0x3FD2] =	sst s25  }
0xa6: {  	s5 =	sshll.u32 s26, $0x1;
	_ =	strace $0x80000046;
	[dreg:$0x1] =	wrdreg $0xFFFFFFFF  }
0xa7: {  	s28 =	simm.s32 $_size_execute0_lowered;
	s3 =	sadd.s32 s3, s5;
	[dreg:$0x0] =	wrdreg $0x0  }
0xa8: {  	s5 =	sshll.u32 s28, $0x1;
	[dreg:$0x2] =	wrdreg s3  }
0xa9: {  	[dreg:$0x3] =	wrdreg s5  }
0xaa: {  	[dreg:$0x4] =	wrdreg $0xC0  }
0xab: {  	_ =	task [dreg:s7], $0x5FFFF  }
0xac: {  	[dreg:$0x1] =	wrdreg $0xFFFFFFFF  }
0xad: {  	[dreg:$0x0] =	wrdreg $0x60  }
0xae: {  	[dreg:$0x2] =	wrdreg s24  }
0xaf: {  	[dreg:$0x3] =	wrdreg s2  }
0xb0: {  	[dreg:$0x4] =	wrdreg $0x0  }
0xb1: {  	[dreg:$0x5] =	wrdreg $0x1C2A00  }
0xb2: {  	[dreg:$0x6] =	wrdreg $0x9  }
0xb3: {  	_ =	task.clear_ibuf [dreg:s7], $0x7FFFF;
	_ =	strace $0x90000046  }
0xb4: {  	s29 =	simm.s32 $0x9;
	_ =	strace $0x80000048  }
0xb5: {  	_ =	swait.ge [sflag:s29], $0x1  }
0xb6: {  	[sflag:s29] =	ssyncadd.s32 $0xFFFFFFFF  }
0xb7: {  	_ =	strace $0x90000048  }
0xb8: {  	_ =	sfence  }
0xb9: {  	s30 =	sld [smem:$0x0];
	_ =	sdelay $0x2  }
0xba: {  	s31 =	sshll.u32 s1, $0xD;
	s1 =	sshrl.u32 s1, $0x2  }
0xbb: {  	s3 =	sand.u32 $0x4000, s31;
	s1 =	sadd.s32 s1, s30  }
0xbc: {  	s0 =	sor.u32 s3, s0;
	s1 =	sshll.u32 s1, $0x11  }
0xbd: {  	s0 =	sor.u32 s1, s0  }
0xbe: {  	s0 =	sadd.s32 $0x8F2B, s0  }
0xbf: {  	[sflag:s0] =	ssyncadd.remote.s32 $0x1  }
0xc0: {  	_ =	sfence.sel $0xFFFF  }
0xc1: {  	[dreg:$0x0] =	wrdreg $0xFFFFFFFF;
	(pc) =	sbr.abs _section_cstart, $3  }
0xc2: {  	[dreg:$0x1] =	wrdreg $0xFFFFFFFF  }
0xc3: {  	_ =	task.clear_ibuf [dreg:s7], $0x2FFFF;
	_ =	strace $0x9FFFFFFF  }
0xc4: {  	(tm) =	ssettm $0x7FFFFFFF  }
0xc5: {  	_ =	shalt  }
tec
execute0_lowered:
.L_overlay_start_1:
0x0: {  	(tag) =	ssettag $0x1  }
0x1: {  	s0 =	rddreg [dreg:$0x0]  }
0x2: {  	s1 =	rddreg [dreg:$0x1]  }
0x3: {  	s2 =	rddreg [dreg:$0x2]  }
0x4: {  	s3 =	rddreg [dreg:$0x3]  }
0x5: {  	s4 =	stileid.u32;
	s5 =	srdreg.scid;
	s6 =	simm.s32 $0x0  }
0x6: {  	s18 =	simm.s32 $0x4;
	s28 =	simm.s32 $0x2;
	s29 =	simm.s32 $0x19AA0  }
0x7: {  	s30 =	simm.s32 $0x3;
	s31 =	simm.s32 $0x1AEA0;
	s8 =	smul.u32 $0x4E2, s4  }
0x8: {  	s5 =	sand.u32 $0x1, s5;
	s9 =	smul.u32 $0x13880, s4;
	[smem:$0x7FF] =	sst s6  }
0x9: {  	s6 =	sadd.s32 $0x32E00, s0;
	s7 =	sadd.s32 $0xBC00, s0;
	s11 =	sadd.s32 $0x5A000, s0  }
0xa: {  	s19 =	sadd.s32 $0x5C800, s0;
	_ =	strace $0x80000047;
	[dreg:$0x5] =	wrdreg s11  }
0xb: {  	s20 =	sadd.s32 $0x5CE00, s0;
	s12 =	smul.u32 $0x2710, s4;
	[dreg:$0x6] =	wrdreg s19  }
0xc: {  	s13 =	sshll.u32 s4, $0x6;
	s10 =	smul.u32 $0x138800, s5;
	[dreg:$0x7] =	wrdreg s20  }
0xd: {  	s21 =	ssub.s32 $0x2, s5;
	s14 =	smul.u32 $0x27100, s5;
	s4 =	sor.u32 $0x1C04, s13  }
0xe: {  	p0 =	seq.s32 s5, $0x1;
	p1 =	sne.s32 s5, $0x0;
	p2 =	seq.s32 s5, $0x0  }
0xf: {  	s8 =	sadd.s32 s8, s0;
	s22 =	sshrl.u32 s21, $0x1;
	s19 =	sadd.s32 s12, s3  }
0x10: {  	[dreg:$0x8] =	wrdreg s4;
	s10 =	sadd.s32 s9, s10;
	s23 =	sadd.s32 $0x6C00, s8  }
0x11: {  	s9 =	sadd.s32 s9, s2;
	s8 =	sadd.s32 $0x1C00, s8;
	[dreg:$0x9] =	wrdreg s23  }
0x12: {  	s12 =	sadd.s32 s12, s14;
	s10 =	sshrl.u32 s10, $0x3;
	[dreg:$0xa] =	wrdreg s8  }
0x13: {  	s24 =	sshrl.u32 s12, $0x3;
	s8 =	sshrl.u32 s9, $0x3;
	s9 =	sshrl.u32 s19, $0x3  }
0x14: {  	s23 =	simm.s32 $0x1;
	s0 =	sadd.s32 s10, s0;
	[dreg:$0xe] =	wrdreg s8  }
0x15: {  	s10 =	ssub.s32 s21, s22;
	s25 =	sadd.s32 s1, s24;
	[dreg:$0xf] =	wrdreg s9  }
0x16: {  	s24 =	simm.s32 $0x28;
	s0 =	sadd.s32 $0x5D000, s0;
	[dreg:$0xc] =	wrdreg s25  }
0x17: {  	s1 =	simm.s32 $0x0;
	s26 =	smax.u32 s10, $0x1;
	[dreg:$0xb] =	wrdreg s0  }
0x18: {  	s25 =	simm.s32 $0x186A0;
	[dreg:$0xd] =	wrdreg s26;
	s26 =	simm.s32 $0x5  }
.LBB2_1:
0x19: {  	s0 =	rddreg [dreg:$0x5]  }
0x1a: {  	[spmem:s8], [sflag:s4] =	dma.local [hbm:s0], $0x2710  }
0x1b: {  	_ =	swait.ge [sflag:s18], $0x2710  }
0x1c: {  	[sflag:s18] =	ssyncset.done $0x0  }
0x1d: {  	s14 =	rddreg [dreg:$0x6];
	[sflag:s18] =	ssyncadd.s32 $0xFFFFD8F0  }
0x1e: {  	[spmem:s9], [sflag:s4] =	dma.local [hbm:s14], $0x4E2  }
0x1f: {  	_ =	swait.ge [sflag:s18], $0x4E2  }
0x20: {  	s15 =	simm.s32 $0x0;
	[sflag:s18] =	ssyncset.done $0x0  }
0x21: {  	s17 =	simm.s32 $0x1E9B0;
	s16 =	rddreg [dreg:$0x7];
	[sflag:s18] =	ssyncadd.s32 $0xFFFFFB1E  }
0x22: {  	[tilespmem:s17], [sflag:$0x4] =	stream.linear.gather [hbm4b:s16+s15], $0x280, $0x38;
	[tilespmem:$0x1EC30] =	vst v63  }
0x23: {  	_ =	swait.ge [sflag:s18], $0x280  }
0x24: {  	[sflag:s18] =	ssyncset.done $0x0  }
0x25: {  	s20 =	simm.s32 $0x13880;
	s19 =	rddreg [dreg:$0x9];
	[sflag:s18] =	ssyncadd.s32 $0xFFFFFD80  }
0x26: {  	[tilespmem:s20], [sflag:$0x4] =	stream.linear.gather [hbm4b:s19+s15], $0x2710, $0x38;
	[tilespmem:$0x1EC30] =	vst v63  }
0x27: {  	_ =	swait.ge [sflag:s18], $0x2710  }
0x28: {  	[sflag:s18] =	ssyncset.done $0x0  }
0x29: {  	s22 =	simm.s32 $0x15F90;
	s21 =	rddreg [dreg:$0xa];
	[sflag:s18] =	ssyncadd.s32 $0xFFFFD8F0  }
0x2a: {  	[tilespmem:s22], [sflag:$0x4] =	stream.linear.gather [hbm4b:s21+s15], $0x2710, $0x38;
	[tilespmem:$0x1EC30] =	vst v63  }
0x2b: {  	_ =	swait.ge [sflag:s18], $0x2710  }
0x2c: {  	[sflag:s18] =	ssyncset.done $0x0  }
0x2d: {  	s0 =	simm.s32 @!p1 $0x13880;
	[sflag:s18] =	ssyncadd.s32 $0xFFFFD8F0  }
0x2e: {  	s21 =	simm.s32 @!p1 $0x28;
	s22 =	simm.s32 @!p1 $0x186A0;
	[bflag:$0x0] =	sbarrier.arrive $0xFFFF  }
0x2f: {  	[tilespmem:s22], [sflag:$0x1] =	stream.indirect.gather @!p1 [hbm4b:s6+s21], $0x80, s0, s21, $0xb8;
	[tilespmem:$0x1EC30] =	vst v63  }
0x30: {  	s8 =	simm.s32 @p0 $0x186A0;
	s9 =	simm.s32 @p0 $0x13880;
	s0 =	simm.s32 @p0 $0x28  }
0x31: {  	[tilespmem:s8], [sflag:$0x1] =	stream.indirect.gather @p0 [hbm4b:s7+s0], $0x80, s9, s0, $0xb8;
	[tilespmem:$0x1EC30] =	vst v63  }
0x32: {  	s10 =	simm.s32 @!p1 $0x19AA0;
	s9 =	simm.s32 @!p1 $0x138A8  }
0x33: {  	[tilespmem:s10], [sflag:$0x2] =	stream.indirect.gather @!p1 [hbm4b:s6+s21], $0x80, s9, s21, $0xb8;
	[tilespmem:$0x1EC30] =	vst v63  }
0x34: {  	s9 =	simm.s32 @p0 $0x138A8;
	s10 =	simm.s32 @p0 $0x19AA0  }
0x35: {  	[tilespmem:s10], [sflag:$0x2] =	stream.indirect.gather @p0 [hbm4b:s7+s0], $0x80, s9, s0, $0xb8;
	[tilespmem:$0x1EC30] =	vst v63  }
0x36: {  	s9 =	simm.s32 @!p1 $0x138D0;
	s10 =	simm.s32 @!p1 $0x1AEA0  }
0x37: {  	[tilespmem:s10], [sflag:$0x3] =	stream.indirect.gather @!p1 [hbm4b:s6+s21], $0x80, s9, s21, $0xb8;
	[tilespmem:$0x1EC30] =	vst v63  }
0x38: {  	s9 =	simm.s32 @p0 $0x138D0;
	s10 =	simm.s32 @p0 $0x1AEA0  }
0x39: {  	[tilespmem:s10], [sflag:$0x3] =	stream.indirect.gather @p0 [hbm4b:s7+s0], $0x80, s9, s0, $0xb8;
	[tilespmem:$0x1EC30] =	vst v63  }
0x3a: {  	s9 =	simm.s32 $0x0;
	s10 =	simm.s32 $0x0  }
.LBB2_2:
0x3b: {  	_ =	swait.ge [sflag:s23], $0x1400  }
0x3c: {  	s12 =	sshra.s32 @!p1 s9, $0x2;
	[sflag:s23] =	ssyncset.done $0x0  }
0x3d: {  	s12 =	sadd.s32 @!p1 $0x138F8, s12;
	[sflag:s23] =	ssyncadd.s32 $0xFFFFEC00  }
0x3e: {  	[tilespmem:s22], [sflag:$0x1] =	stream.indirect.gather @!p1 [hbm4b:s6+s21], $0x80, s12, s21, $0xb8;
	[tilespmem:$0x1EC30] =	vst v63  }
0x3f: {  	s12 =	sshra.s32 @p0 s9, $0x2  }
0x40: {  	s12 =	sadd.s32 @p0 $0x138F8, s12  }
0x41: {  	[tilespmem:s8], [sflag:$0x1] =	stream.indirect.gather @p0 [hbm4b:s7+s0], $0x80, s12, s0, $0xb8;
	[tilespmem:$0x1EC30] =	vst v63  }
0x42: {  	p3 =	slt.u32 s10, $0x2A;
	p4 =	sgt.u32 s10, $0x29;
	s12 =	sshra.s32 s9, $0x2  }
0x43: {  	p3 =	por !p2, !p3;
	p4 =	por !p4, !p0;
	s13 =	sadd.s32 $0x15F90, s12  }
0x44: {  	[spmem:s2] =	stream.indirect.scatter.add.f32 [tilespmem:s25], [sflag:$0x5], $0x80, s13, s24, $0xb8;
	[tilespmem:$0x1EC30] =	vst v63  }
0x45: {  	p3 =	por !p3, !p3;
	p4 =	por !p4, !p4;
	_ =	swait.ge [sflag:s26], $0x1400  }
0x46: {  	p3 =	por p3, p4;
	[sflag:s26] =	ssyncset.done $0x0  }
0x47: {  	s14 =	simm.s32 @p3 $0x28;
	s15 =	simm.s32 @p3 $0x1E9B0;
	[sflag:s26] =	ssyncadd.s32 $0xFFFFEC00  }
0x48: {  	[spmem:s3] =	stream.indirect.scatter.add.f32 @p3 [tilespmem:s15], [sflag:$0x5], $0x10, s13, s14, $0xb8;
	[tilespmem:$0x1EC30] =	vst v63  }
0x49: {  	s13 =	simm.s32 @p3 $0x5  }
0x4a: {  	_ =	swait.ge @p3 [sflag:s13], $0x280  }
0x4b: {  	p5 =	seq.s32 s9, $0x99C0;
	[sflag:s13] =	ssyncset.done @p3 $0x0  }
0x4c: {  	p4 =	sne.s32 @!p5 s5, $0x0;
	[sflag:s13] =	ssyncadd.s32 @p3 $0xFFFFFD80  }
0x4d: {  	p4 =	por p4, p5;
	p5 =	por !p0, p5;
	_ =	swait.ge [sflag:s28], $0x1400  }
0x4e: {  	s16 =	sshra.s32 @!p4 s9, $0x2;
	s17 =	simm.s32 @!p4 $0x28;
	[sflag:s28] =	ssyncset.done $0x0  }
0x4f: {  	s19 =	simm.s32 @!p4 $0x19AA0;
	s4 =	sadd.s32 @!p4 $0x13920, s16;
	[sflag:s28] =	ssyncadd.s32 $0xFFFFEC00  }
0x50: {  	[tilespmem:s19], [sflag:$0x2] =	stream.indirect.gather @!p4 [hbm4b:s6+s17], $0x80, s4, s17, $0xb8;
	[tilespmem:$0x1EC30] =	vst v63  }
0x51: {  	s4 =	sshra.s32 @!p5 s9, $0x2  }
0x52: {  	s11 =	simm.s32 @!p5 $0x28;
	s20 =	simm.s32 @!p5 $0x19AA0;
	s19 =	sadd.s32 @!p5 $0x13920, s4  }
0x53: {  	[tilespmem:s20], [sflag:$0x2] =	stream.indirect.gather @!p5 [hbm4b:s7+s11], $0x80, s19, s11, $0xb8;
	[tilespmem:$0x1EC30] =	vst v63  }
0x54: {  	s19 =	sadd.s32 $0x15FB8, s12  }
0x55: {  	[spmem:s2] =	stream.indirect.scatter.add.f32 [tilespmem:s29], [sflag:$0x5], $0x80, s19, s24, $0xb8;
	[tilespmem:$0x1EC30] =	vst v63  }
0x56: {  	_ =	swait.ge [sflag:s26], $0x1400  }
0x57: {  	[sflag:s26] =	ssyncset.done $0x0  }
0x58: {  	[sflag:s26] =	ssyncadd.s32 $0xFFFFEC00  }
0x59: {  	[spmem:s3] =	stream.indirect.scatter.add.f32 @p3 [tilespmem:s15], [sflag:$0x5], $0x10, s19, s14, $0xb8;
	[tilespmem:$0x1EC30] =	vst v63  }
0x5a: {  	_ =	swait.ge @p3 [sflag:s13], $0x280  }
0x5b: {  	[sflag:s13] =	ssyncset.done @p3 $0x0  }
0x5c: {  	[sflag:s13] =	ssyncadd.s32 @p3 $0xFFFFFD80  }
0x5d: {  	_ =	swait.ge [sflag:s30], $0x1400  }
0x5e: {  	[sflag:s30] =	ssyncset.done $0x0  }
0x5f: {  	s14 =	simm.s32 @!p4 $0x1AEA0;
	s13 =	sadd.s32 @!p4 $0x13948, s16;
	[sflag:s30] =	ssyncadd.s32 $0xFFFFEC00  }
0x60: {  	[tilespmem:s14], [sflag:$0x3] =	stream.indirect.gather @!p4 [hbm4b:s6+s17], $0x80, s13, s17, $0xb8;
	[tilespmem:$0x1EC30] =	vst v63  }
0x61: {  	s4 =	sadd.s32 @!p5 $0x13948, s4;
	s13 =	simm.s32 @!p5 $0x1AEA0  }
0x62: {  	[tilespmem:s13], [sflag:$0x3] =	stream.indirect.gather @!p5 [hbm4b:s7+s11], $0x80, s4, s11, $0xb8;
	[tilespmem:$0x1EC30] =	vst v63  }
0x63: {  	p6 =	sgt.u32 s10, $0x28;
	p5 =	slt.u32 s10, $0x29  }
0x64: {  	s12 =	sadd.s32 $0x15FE0, s12;
	p4 =	por !p6, !p0;
	p3 =	por !p2, !p5  }
0x65: {  	[spmem:s2] =	stream.indirect.scatter.add.f32 [tilespmem:s31], [sflag:$0x5], $0x80, s12, s24, $0xb8;
	[tilespmem:$0x1EC30] =	vst v63  }
0x66: {  	p4 =	por !p4, !p4;
	p3 =	por !p3, !p3;
	_ =	swait.ge [sflag:s26], $0x1400  }
0x67: {  	p3 =	por p3, p4;
	[sflag:s26] =	ssyncset.done $0x0  }
0x68: {  	s4 =	simm.s32 @p3 $0x1E9B0;
	[sflag:s26] =	ssyncadd.s32 $0xFFFFEC00  }
0x69: {  	[spmem:s3] =	stream.indirect.scatter.add.f32 @p3 [tilespmem:s4], [sflag:$0x4], $0x10, s12, s24, $0xb8;
	[tilespmem:$0x1EC30] =	vst v63  }
0x6a: {  	_ =	swait.ge @p3 [sflag:s18], $0x280  }
0x6b: {  	s9 =	sadd.s32 $0x1E0, s9;
	[sflag:s18] =	ssyncset.done @p3 $0x0  }
0x6c: {  	[sflag:s18] =	ssyncadd.s32 @p3 $0xFFFFFD80;
	p3 =	sne.s32 s9, $0x9BA0  }
.Ltmp0:
0x6d: {  	_ = 	snop;
	(pc) =	sbr.rel @p3 .LBB2_2-.Ltmp0, $2  }
0x6e: {  	_ =	sdelay $0x2  }
0x6f: {  	s10 =	sadd.s32 $0x1, s10  }
0x70: {  	_ =	swait.ge [sflag:s23], $0x1400  }
0x71: {  	[sflag:s23] =	ssyncset.done $0x0  }
0x72: {  	s0 =	simm.s32 $0x18678;
	[sflag:s23] =	ssyncadd.s32 $0xFFFFEC00  }
0x73: {  	[spmem:s2] =	stream.indirect.scatter.add.f32 [tilespmem:s25], [sflag:$0x4], $0x80, s0, s24, $0xb8;
	[tilespmem:$0x1EC30] =	vst v63  }
0x74: {  	_ =	swait.ge [sflag:s18], $0x1400  }
0x75: {  	s4 =	simm.s32 @p0 $0x18678;
	[sflag:s18] =	ssyncset.done $0x0  }
0x76: {  	s8 =	simm.s32 @p0 $0x1E9B0;
	s0 =	simm.s32 @p0 $0x28;
	[sflag:s18] =	ssyncadd.s32 $0xFFFFEC00  }
0x77: {  	[spmem:s3] =	stream.indirect.scatter.add.f32 @p0 [tilespmem:s8], [sflag:$0x4], $0x10, s4, s0, $0xb8;
	[tilespmem:$0x1EC30] =	vst v63  }
0x78: {  	s0 =	simm.s32 @p0 $0x4  }
0x79: {  	_ =	swait.ge @p0 [sflag:s0], $0x280  }
0x7a: {  	[sflag:s0] =	ssyncset.done @p0 $0x0  }
0x7b: {  	[sflag:s0] =	ssyncadd.s32 @p0 $0xFFFFFD80  }
0x7c: {  	[bflag:$0x0] =	sbarrier.arrive $0xFFFF  }
0x7d: {  	s4 =	rddreg [dreg:$0x8]  }
0x7e: {  	s20 =	rddreg [dreg:$0xb]  }
0x7f: {  	s8 =	rddreg [dreg:$0xe]  }
0x80: {  	[hbm:s20], [sflag:s4] =	dma.local [spmem:s8], $0x2710  }
0x81: {  	_ =	swait.ge [sflag:s18], $0x2710  }
0x82: {  	[sflag:s18] =	ssyncset.done $0x0;
	s21 =	rddreg [dreg:$0xc]  }
0x83: {  	s9 =	rddreg [dreg:$0xf];
	[sflag:s18] =	ssyncadd.s32 $0xFFFFD8F0  }
0x84: {  	[hbm:s21], [sflag:s4] =	dma.local [spmem:s9], $0x4E2  }
0x85: {  	_ =	swait.ge [sflag:s18], $0x4E2  }
0x86: {  	s1 =	sadd.s32 $0x1, s1;
	s22 =	rddreg [dreg:$0xd]  }
0x87: {  	p3 =	sne.s32 s1, s22  }
.Ltmp1:
0x88: {  	_ = 	snop;
	(pc) =	sbr.rel @p3 .LBB2_1-.Ltmp1, $3  }
0x89: {  	_ =	sdelay $0x1  }
0x8a: {  	[sflag:s18] =	ssyncset.done $0x0  }
0x8b: {  	[sflag:s18] =	ssyncadd.s32 $0xFFFFFB1E  }
0x8c: {  	_ =	sfence.sel $0x180000  }
0x8d: {  	[bflag:$0x0] =	sbarrier.arrive $0xFFFF  }
0x8e: {  	_ =	strace $0x90000047  }
0x8f: {  	s0 =	stileid.u32;
	[bflag:$0x2] =	sbarrier.arrive $0xFFFF  }
0x90: {  	p0 =	sne.s32 s0, $0x0;
	s0 =	rddreg [dreg:$0x4]  }
0x91: {  	s0 =	sadd.s32 @!p0 $0x100000, s0  }
0x92: {  	[sflag:s0] =	ssyncadd.tile.s32 @!p0 $0x1;
	_ =	shalt  }
.Lfunc_end2:
_tile_overlayer_lowered:
.L_overlay_start_2:
0x93: {  	(tag) =	ssettag $0x2  }
0x94: {  	s0 =	rddreg [dreg:$0x0];
	s2 =	stileid.u32  }
0x95: {  	s1 =	rddreg [dreg:$0x1];
	p0 =	sne.s32 s2, $0x0  }
0x96: {  	s3 =	rddreg [dreg:$0x2];
	[bflag:$0x3] =	sbarrier.arrive $0xFFFF;
	s2 =	simm.s32 @!p0 $0x1C04  }
0x97: {  	[timem:s3], [sflag:s2] =	dma.local @!p0 [hbm:s0], s1  }
0x98: {  	s0 =	simm.s32 @!p0 $0x4  }
0x99: {  	_ =	swait.ge @!p0 [sflag:s0], s1  }
0x9a: {  	s1 =	ssub.s32 @!p0 $0x0, s1;
	[sflag:s0] =	ssyncset.done @!p0 $0x0  }
0x9b: {  	[sflag:s0] =	ssyncadd.s32 @!p0 s1  }
0x9c: {  	[bflag:$0x3] =	sbarrier.arrive $0xFFFF  }
0x9d: {  	_ =	shalt  }

// kernel: kernel.9.cloned.1.call-start
scs
__scs_entry_jumppad:
0x0: {  	(pc) =	sbr.rel $0x88, $3  }
0x1: {  	(tag) =	ssettag $0x0;
	lr =	simm.s32 $0x1  }
0x2: {  	[smem:$0x3F96] =	sst lr;
	_ =	strace $0xD0000000  }
0x3: {  	_ = 	snop  }
0x4: {  	_ = 	snop  }
0x5: {  	_ = 	snop  }
0x6: {  	_ = 	snop  }
0x7: {  	_ = 	snop  }
__scs_overlays_trampoline_lowered:
0x8: {  	[smem:$0x3FA5] =	sst s0  }
0x9: {  	[smem:$0x3FA6] =	sst s1  }
0xa: {  	[smem:$0x3FA7] =	sst s2  }
0xb: {  	[smem:$0x3FA8] =	sst s3  }
0xc: {  	[smem:$0x3FA9] =	sst s4  }
0xd: {  	[smem:$0x3FAA] =	sst s5  }
0xe: {  	[smem:$0x3FAB] =	sst s6  }
0xf: {  	[smem:$0x3FAC] =	sst s7  }
0x10: {  	[smem:$0x3FAD] =	sst s8  }
0x11: {  	[smem:$0x3FAE] =	sst s9;
	s0 =	simm.s32 @!p0 $0x0  }
0x12: {  	s1 =	sld [smem:$0x3F94];
	s0 =	simm.s32 @p0 $0x1  }
0x13: {  	[smem:$0x3FAF] =	sst s0;
	s0 =	simm.s32 @!p1 $0x0  }
0x14: {  	s2 =	sld [smem:$0x3F93];
	s0 =	simm.s32 @p1 $0x1  }
0x15: {  	[smem:$0x3FB0] =	sst s0;
	s0 =	simm.s32 @!p2 $0x0  }
0x16: {  	s3 =	sld [smem:$0x3FDB];
	s0 =	simm.s32 @p2 $0x1  }
0x17: {  	s4 =	simm.s32 $0x1BF5;
	[smem:$0x3FB2] =	sst s0  }
0x18: {  	s0 =	sld [smem:$0x3F95];
	_ =	swait.ge [sflag:s4], $0x0  }
0x19: {  	s7 =	sld [smem:$0x3F96]  }
0x1a: {  	s8 =	sadd.s32 $0xFFFFE003, lr  }
0x1b: {  	s9 =	sadd.s32 $0xFFFFFEF7, lr;
	s5 =	simm.s32 $0xFFFFFFFF;
	p2 =	slt.u32 s8, $0xFFFFF086  }
0x1c: {  	p1 =	slt.u32 s9, $0xF7A;
	s5 =	simm.s32 @!p2 $0x0  }
0x1d: {  	s5 =	simm.s32 @p1 $0x1;
	p0 =	seq.s32 s7, s2  }
0x1e: {  	s7 =	smul.u32 @!p0 $0xF7A, s2;
	p2 =	seq.s32 @!p0 s5, $0x0  }
0x1f: {  	s9 =	smul.u32 $0xF7A, s1;
	s8 =	simm.s32 @!p0 $0x1BF5;
	p2 =	por !p2, p0  }
0x20: {  	[sflag:s8] =	ssyncset.s32 @!p0 $0xFFFFF086;
	s6 =	sadd.s32 @!p0 s3, s7;
	s7 =	simm.s32 @!p0 $0x108  }
0x21: {  	s3 =	sadd.s32 s3, s9;
	s6 =	sadd.s32 @!p0 $0x88, s6;
	s7 =	simm.s32 @p2 $0x1082  }
0x22: {  	[simem:s7], [sflag:s8] =	dma.local @!p0 [hbm:s6], $0xF7A  }
0x23: {  	s9 =	sor.u32 $0xD0000000, s2;
	s6 =	simm.s32 $0x108;
	_ =	swait.ge @!p0 [sflag:s8], $0x0  }
0x24: {  	s3 =	sadd.s32 $0x88, s3;
	s6 =	simm.s32 @!p1 $0x1082;
	[sflag:s4] =	ssyncset.s32 $0xFFFFF086  }
0x25: {  	[simem:s6], [sflag:s4] =	dma.local [hbm:s3], $0xF7A  }
0x26: {  	[smem:$0x3F96] =	sst s1;
	(tag) =	ssettag s2;
	_ =	strace s9  }
0x27: {  	s1 =	sld [smem:$0x3FA6]  }
0x28: {  	s2 =	sld [smem:$0x3FA7]  }
0x29: {  	s4 =	sld [smem:$0x3FA9]  }
0x2a: {  	p0 =	seq.s32 s5, $0x0;
	s5 =	sld [smem:$0x3FAA]  }
0x2b: {  	s6 =	sld [smem:$0x3FAB]  }
0x2c: {  	s7 =	sld [smem:$0x3FAC]  }
0x2d: {  	s3 =	simm.s32 $0x108;
	s8 =	sld [smem:$0x3FAD]  }
0x2e: {  	s3 =	simm.s32 @!p0 $0x1082;
	s9 =	sld [smem:$0x3FAE]  }
0x2f: {  	lr =	sadd.s32 s0, s3;
	s0 =	sld [smem:$0x3FA5]  }
0x30: {  	s3 =	sld [smem:$0x3FA8]  }
0x31: {  	[smem:$0x3FB1] =	sst s10  }
0x32: {  	s10 =	sld [smem:$0x3FAF];
	_ =	sdelay $0x3  }
0x33: {  	p0 =	seq.s32 s10, $0x1;
	s10 =	sld [smem:$0x3FB1];
	_ =	sdelay $0x3  }
0x34: {  	[smem:$0x3FB1] =	sst s10  }
0x35: {  	s10 =	sld [smem:$0x3FB0];
	_ =	sdelay $0x3  }
0x36: {  	p1 =	seq.s32 s10, $0x1;
	s10 =	sld [smem:$0x3FB1];
	_ =	sdelay $0x3  }
0x37: {  	[smem:$0x3FB1] =	sst s10  }
0x38: {  	s10 =	sld [smem:$0x3FB2]  }
0x39: {  	_ = 	snop;
	(pc) =	sbr.ind lr, $3  }
0x3a: {  	_ = 	snop  }
0x3b: {  	_ = 	snop  }
0x3c: {  	p2 =	seq.s32 s10, $0x1;
	s10 =	sld [smem:$0x3FB1]  }
0x3d: {  	_ =	shalt  }
0x3e: {  	_ =	shalt  }
0x3f: {  	_ =	shalt  }
0x40: {  	_ =	shalt  }
0x41: {  	_ =	shalt  }
0x42: {  	_ =	shalt  }
0x43: {  	_ =	shalt  }
0x44: {  	_ =	shalt  }
0x45: {  	_ =	shalt  }
0x46: {  	_ =	shalt  }
0x47: {  	_ =	shalt  }
0x48: {  	_ =	shalt  }
0x49: {  	_ =	shalt  }
0x4a: {  	_ =	shalt  }
0x4b: {  	_ =	shalt  }
0x4c: {  	_ =	shalt  }
0x4d: {  	_ =	shalt  }
0x4e: {  	_ =	shalt  }
0x4f: {  	_ =	shalt  }
0x50: {  	_ =	shalt  }
0x51: {  	_ =	shalt  }
0x52: {  	_ =	shalt  }
0x53: {  	_ =	shalt  }
0x54: {  	_ =	shalt  }
0x55: {  	_ =	shalt  }
0x56: {  	_ =	shalt  }
0x57: {  	_ =	shalt  }
0x58: {  	_ =	shalt  }
0x59: {  	_ =	shalt  }
0x5a: {  	_ =	shalt  }
0x5b: {  	_ =	shalt  }
0x5c: {  	_ =	shalt  }
0x5d: {  	_ =	shalt  }
0x5e: {  	_ =	shalt  }
0x5f: {  	_ =	shalt  }
0x60: {  	_ =	shalt  }
0x61: {  	_ =	shalt  }
0x62: {  	_ =	shalt  }
0x63: {  	_ =	shalt  }
0x64: {  	_ =	shalt  }
0x65: {  	_ =	shalt  }
0x66: {  	_ =	shalt  }
0x67: {  	_ =	shalt  }
0x68: {  	_ =	shalt  }
0x69: {  	_ =	shalt  }
0x6a: {  	_ =	shalt  }
0x6b: {  	_ =	shalt  }
0x6c: {  	_ =	shalt  }
0x6d: {  	_ =	shalt  }
0x6e: {  	_ =	shalt  }
0x6f: {  	_ =	shalt  }
0x70: {  	_ =	shalt  }
0x71: {  	_ =	shalt  }
0x72: {  	_ =	shalt  }
0x73: {  	_ =	shalt  }
0x74: {  	_ =	shalt  }
0x75: {  	_ =	shalt  }
0x76: {  	_ =	shalt  }
0x77: {  	_ =	shalt  }
0x78: {  	_ =	shalt  }
0x79: {  	_ =	shalt  }
0x7a: {  	_ =	shalt  }
0x7b: {  	_ =	shalt  }
0x7c: {  	_ =	shalt  }
0x7d: {  	_ =	shalt  }
0x7e: {  	_ =	shalt  }
0x7f: {  	_ =	shalt  }
0x80: {  	_ =	shalt  }
0x81: {  	_ =	shalt  }
0x82: {  	_ =	shalt  }
0x83: {  	_ =	shalt  }
0x84: {  	_ =	shalt  }
0x85: {  	_ =	shalt  }
0x86: {  	_ =	shalt  }
0x87: {  	_ =	shalt  }
.Lfunc_end0:
.L_simem_size_0:
called_computation.1_lowered:
.L_overlay_start_0:
0x88: {  	s2 =	sld [smem:$0x3FD9]  }
0x89: {  	s3 =	sld [smem:$0x3FFE];
	_ =	sdelay $0x1  }
0x8a: {  	s1 =	srdreg.scid  }
0x8b: {  	s0 =	sand.u32 $0x1, s1  }
0x8c: {  	s17 =	sshll.u32 s0, $0xA;
	s2 =	sadd.s32 s3, s2  }
0x8d: {  	s2 =	sadd.s32 s2, s17  }
0x8e: {  	[smem:$0x3FBD] =	sst s2  }
0x8f: {  	_ = 	snop  }
0x90: {  	s2 =	sld [smem:$0x3FD0];
	(tm) =	ssettm $0x1  }
0x91: {  	s18 =	sld [smem:$0x3FFB];
	_ =	sdelay $0x3  }
0x92: {  	_ =	strace s18  }
0x93: {  	s3 =	sld [smem:$0x3FFC];
	_ =	sdelay $0x3  }
0x94: {  	_ =	strace s3  }
0x95: {  	s3 =	sld [smem:$0x3FFD];
	_ =	sdelay $0x3  }
0x96: {  	_ =	strace s3  }
0x97: {  	_ =	strace $0x8FFFFFFF  }
0x98: {  	s19 =	sld [smem:$0x3FDB];
	_ =	sdelay $0x1  }
0x99: {  	s4 =	simm.s32 $_scs_section_size  }
0x9a: {  	s5 =	simm.s32 $_size__tile_overlayer_lowered;
	s6 =	simm.s32 $_tile_overlayer_lowered  }
0x9b: {  	s22 =	simm.s32 $0x1BFF;
	s21 =	sshll.u32 s6, $0x1;
	s3 =	sadd.s32 s4, s19  }
0x9c: {  	s7 =	simm.s32 $0x0;
	s20 =	sshll.u32 s5, $0x1;
	s5 =	sadd.s32 s21, s3  }
0x9d: {  	[timem:s7], [sflag:s22] =	dma.local [hbm:s5], s20  }
0x9e: {  	_ =	swait.ge [sflag:s22], s20  }
0x9f: {  	s4 =	ssub.s32 $0x0, s20;
	[sflag:s22] =	ssyncset.done $0x0  }
0xa0: {  	[sflag:s22] =	ssyncadd.s32 s4;
	_ =	sdelay $0x1  }
0xa1: {  	s23 =	simm.s32 $0x1B8B  }
0xa2: {  	_ =	swait.ge [sflag:s23], $0x1  }
0xa3: {  	[sflag:s23] =	ssyncset.done $0x0  }
0xa4: {  	s25 =	simm.s32 $0x1B8E;
	s24 =	sld [smem:$0x3FFE];
	[sflag:s23] =	ssyncadd.s32 $0xFFFFFFFF  }
0xa5: {  	s26 =	simm.s32 $execute0_lowered;
	[smem:$0x3FD2] =	sst s25  }
0xa6: {  	s5 =	sshll.u32 s26, $0x1;
	_ =	strace $0x80000049;
	[dreg:$0x1] =	wrdreg $0xFFFFFFFF  }
0xa7: {  	s28 =	simm.s32 $_size_execute0_lowered;
	s3 =	sadd.s32 s3, s5;
	[dreg:$0x0] =	wrdreg $0x0  }
0xa8: {  	s5 =	sshll.u32 s28, $0x1;
	[dreg:$0x2] =	wrdreg s3  }
0xa9: {  	[dreg:$0x3] =	wrdreg s5  }
0xaa: {  	[dreg:$0x4] =	wrdreg $0xC0  }
0xab: {  	_ =	task [dreg:s7], $0x5FFFF  }
0xac: {  	[dreg:$0x1] =	wrdreg $0xFFFFFFFF  }
0xad: {  	[dreg:$0x0] =	wrdreg $0x60  }
0xae: {  	[dreg:$0x2] =	wrdreg s24  }
0xaf: {  	[dreg:$0x3] =	wrdreg s2  }
0xb0: {  	[dreg:$0x4] =	wrdreg $0x0  }
0xb1: {  	[dreg:$0x5] =	wrdreg $0x9  }
0xb2: {  	_ =	task.clear_ibuf [dreg:s7], $0x6FFFF;
	_ =	strace $0x90000049  }
0xb3: {  	s29 =	simm.s32 $0x9;
	_ =	strace $0x8000004B  }
0xb4: {  	_ =	swait.ge [sflag:s29], $0x1  }
0xb5: {  	[sflag:s29] =	ssyncadd.s32 $0xFFFFFFFF  }
0xb6: {  	_ =	strace $0x9000004B  }
0xb7: {  	_ =	sfence  }
0xb8: {  	s30 =	sld [smem:$0x0];
	_ =	sdelay $0x2  }
0xb9: {  	s31 =	sshll.u32 s1, $0xD;
	s1 =	sshrl.u32 s1, $0x2  }
0xba: {  	s3 =	sand.u32 $0x4000, s31;
	s1 =	sadd.s32 s1, s30  }
0xbb: {  	s0 =	sor.u32 s3, s0;
	s1 =	sshll.u32 s1, $0x11  }
0xbc: {  	s0 =	sor.u32 s1, s0  }
0xbd: {  	s0 =	sadd.s32 $0x8F2B, s0  }
0xbe: {  	[sflag:s0] =	ssyncadd.remote.s32 $0x1  }
0xbf: {  	_ =	sfence.sel $0xFFFF  }
0xc0: {  	[dreg:$0x0] =	wrdreg $0xFFFFFFFF;
	(pc) =	sbr.abs _section_cstart, $3  }
0xc1: {  	[dreg:$0x1] =	wrdreg $0xFFFFFFFF  }
0xc2: {  	_ =	task.clear_ibuf [dreg:s7], $0x2FFFF;
	_ =	strace $0x9FFFFFFF  }
0xc3: {  	(tm) =	ssettm $0x7FFFFFFF  }
tec
execute0_lowered:
.L_overlay_start_1:
0x0: {  	(tag) =	ssettag $0x1  }
0x1: {  	s0 =	rddreg [dreg:$0x0];
	s1 =	srdreg.scid  }
0x2: {  	s9 =	stileid.u32;
	s3 =	rddreg [dreg:$0x2]  }
0x3: {  	s4 =	simm.s32 $0x0;
	s12 =	simm.s32 $0x7;
	s13 =	simm.s32 $0x7530  }
0x4: {  	s15 =	simm.s32 $0x28;
	s16 =	simm.s32 $0x9C40;
	s18 =	simm.s32 $0xA3C0  }
0x5: {  	s20 =	simm.s32 $0xAB40;
	s22 =	simm.s32 $0xB2C0;
	s28 =	simm.s32 $0x1  }
0x6: {  	s29 =	simm.s32 $0x2;
	s30 =	simm.s32 $0x3;
	s31 =	simm.s32 $0x4  }
0x7: {  	s14 =	simm.s32 $0x9C18;
	s17 =	simm.s32 $0x0;
	s6 =	smul.u32 $0x1388, s9  }
0x8: {  	s1 =	sand.u32 $0x1, s1;
	s7 =	smul.u32 $0x7530, s9;
	[smem:$0x7FF] =	sst s4  }
0x9: {  	s5 =	sadd.s32 $0x59E00, s0;
	s26 =	sshll.u32 s9, $0x6;
	s2 =	smul.u32 $0x13880, s1  }
0xa: {  	s8 =	smul.u32 $0x75300, s1;
	_ =	strace $0x8000004A;
	s1 =	ssub.s32 $0x2, s1  }
0xb: {  	s25 =	sshrl.u32 s1, $0x1;
	s11 =	sadd.s32 s7, s3;
	s2 =	sadd.s32 s6, s2  }
0xc: {  	s24 =	sadd.s32 s7, s8;
	s1 =	ssub.s32 s1, s25;
	s11 =	sshrl.u32 s11, $0x3  }
0xd: {  	s25 =	simm.s32 $0x9BC8;
	s2 =	sshrl.u32 s2, $0x3;
	s6 =	sshrl.u32 s24, $0x3  }
0xe: {  	s10 =	smax.u32 s1, $0x1;
	s24 =	simm.s32 $0xBA40;
	s1 =	simm.s32 $0x5  }
0xf: {  	s2 =	sadd.s32 s2, s0;
	s0 =	sadd.s32 s6, s0;
	s6 =	sor.u32 $0x1C07, s26  }
0x10: {  	s26 =	simm.s32 $0xC1C0;
	s7 =	sadd.s32 $0x6C00, s2;
	s8 =	sadd.s32 $0x1C00, s2  }
0x11: {  	s9 =	sadd.s32 $0x68A00, s0;
	s0 =	simm.s32 $0x6;
	s2 =	simm.s32 $0x9BF0  }
.LBB2_1:
0x12: {  	s19 =	rddreg [dreg:$0x1]  }
0x13: {  	[spmem:s11], [sflag:s6] =	dma.local [hbm:s19], $0xEA6  }
0x14: {  	_ =	swait.ge [sflag:s12], $0xEA6  }
0x15: {  	[sflag:s12] =	ssyncset.done $0x0  }
0x16: {  	[sflag:s12] =	ssyncadd.s32 $0xFFFFF15A  }
0x17: {  	[tilespmem:s13], [sflag:$0x7] =	stream.linear.gather [hbm4b:s7+s4], $0x1388, $0x38;
	[tilespmem:$0xC940] =	vst v63  }
0x18: {  	_ =	swait.ge [sflag:s12], $0x1388  }
0x19: {  	[sflag:s12] =	ssyncset.done $0x0  }
0x1a: {  	s21 =	simm.s32 $0x88B8;
	[sflag:s12] =	ssyncadd.s32 $0xFFFFEC78  }
0x1b: {  	[tilespmem:s21], [sflag:$0x7] =	stream.linear.gather [hbm4b:s8+s4], $0x1388, $0x38;
	[tilespmem:$0xC940] =	vst v63  }
0x1c: {  	_ =	swait.ge [sflag:s12], $0x1388  }
0x1d: {  	[sflag:s12] =	ssyncset.done $0x0  }
0x1e: {  	[sflag:s12] =	ssyncadd.s32 $0xFFFFEC78  }
0x1f: {  	[bflag:$0x0] =	sbarrier.arrive $0xFFFF  }
0x20: {  	[tilespmem:s16], [sflag:$0x1] =	stream.indirect.gather [hbm4b:s5+s15], $0x30, s13, s15, $0xb8;
	[tilespmem:$0xC940] =	vst v63  }
0x21: {  	s23 =	simm.s32 $0x7558  }
0x22: {  	[tilespmem:s18], [sflag:$0x2] =	stream.indirect.gather [hbm4b:s5+s15], $0x30, s23, s15, $0xb8;
	[tilespmem:$0xC940] =	vst v63  }
0x23: {  	s21 =	simm.s32 $0x7580  }
0x24: {  	[tilespmem:s20], [sflag:$0x3] =	stream.indirect.gather [hbm4b:s5+s15], $0x30, s21, s15, $0xb8;
	[tilespmem:$0xC940] =	vst v63  }
0x25: {  	s23 =	simm.s32 $0x75A8  }
0x26: {  	[tilespmem:s22], [sflag:$0x4] =	stream.indirect.gather [hbm4b:s5+s15], $0x30, s23, s15, $0xb8;
	[tilespmem:$0xC940] =	vst v63  }
0x27: {  	s21 =	simm.s32 $0x75D0  }
0x28: {  	[tilespmem:s24], [sflag:$0x5] =	stream.indirect.gather [hbm4b:s5+s15], $0x30, s21, s15, $0xb8;
	[tilespmem:$0xC940] =	vst v63  }
0x29: {  	s23 =	simm.s32 $0x75F8  }
0x2a: {  	[tilespmem:s26], [sflag:$0x6] =	stream.indirect.gather [hbm4b:s5+s15], $0x30, s23, s15, $0xb8;
	[tilespmem:$0xC940] =	vst v63  }
0x2b: {  	_ =	swait.ge [sflag:s28], $0x780  }
0x2c: {  	[sflag:s28] =	ssyncset.done $0x0  }
0x2d: {  	s21 =	simm.s32 $0x7620;
	[sflag:s28] =	ssyncadd.s32 $0xFFFFF880  }
0x2e: {  	[tilespmem:s16], [sflag:$0x1] =	stream.indirect.gather [hbm4b:s5+s15], $0x30, s21, s15, $0xb8;
	[tilespmem:$0xC940] =	vst v63  }
0x2f: {  	s23 =	simm.s32 $0x88B8  }
0x30: {  	[spmem:s3] =	stream.indirect.scatter.add.f32 [tilespmem:s16], [sflag:$0x7], $0x30, s23, s15, $0xb8;
	[tilespmem:$0xC940] =	vst v63  }
0x31: {  	_ =	swait.ge [sflag:s12], $0x780  }
0x32: {  	[sflag:s12] =	ssyncset.done $0x0  }
0x33: {  	[sflag:s12] =	ssyncadd.s32 $0xFFFFF880  }
0x34: {  	_ =	swait.ge [sflag:s29], $0x780  }
0x35: {  	[sflag:s29] =	ssyncset.done $0x0  }
0x36: {  	s21 =	simm.s32 $0x7648;
	[sflag:s29] =	ssyncadd.s32 $0xFFFFF880  }
0x37: {  	[tilespmem:s18], [sflag:$0x2] =	stream.indirect.gather [hbm4b:s5+s15], $0x30, s21, s15, $0xb8;
	[tilespmem:$0xC940] =	vst v63  }
0x38: {  	s23 =	simm.s32 $0x88E0  }
0x39: {  	[spmem:s3] =	stream.indirect.scatter.add.f32 [tilespmem:s18], [sflag:$0x7], $0x30, s23, s15, $0xb8;
	[tilespmem:$0xC940] =	vst v63  }
0x3a: {  	_ =	swait.ge [sflag:s12], $0x780  }
0x3b: {  	[sflag:s12] =	ssyncset.done $0x0  }
0x3c: {  	[sflag:s12] =	ssyncadd.s32 $0xFFFFF880  }
0x3d: {  	_ =	swait.ge [sflag:s30], $0x780  }
0x3e: {  	[sflag:s30] =	ssyncset.done $0x0  }
0x3f: {  	s21 =	simm.s32 $0x7670;
	[sflag:s30] =	ssyncadd.s32 $0xFFFFF880  }
0x40: {  	[tilespmem:s20], [sflag:$0x3] =	stream.indirect.gather [hbm4b:s5+s15], $0x30, s21, s15, $0xb8;
	[tilespmem:$0xC940] =	vst v63  }
0x41: {  	s23 =	simm.s32 $0x8908  }
0x42: {  	[spmem:s3] =	stream.indirect.scatter.add.f32 [tilespmem:s20], [sflag:$0x7], $0x30, s23, s15, $0xb8;
	[tilespmem:$0xC940] =	vst v63  }
0x43: {  	_ =	swait.ge [sflag:s12], $0x780  }
0x44: {  	[sflag:s12] =	ssyncset.done $0x0  }
0x45: {  	[sflag:s12] =	ssyncadd.s32 $0xFFFFF880  }
0x46: {  	_ =	swait.ge [sflag:s31], $0x780  }
0x47: {  	[sflag:s31] =	ssyncset.done $0x0  }
0x48: {  	s21 =	simm.s32 $0x7698;
	[sflag:s31] =	ssyncadd.s32 $0xFFFFF880  }
0x49: {  	[tilespmem:s22], [sflag:$0x4] =	stream.indirect.gather [hbm4b:s5+s15], $0x30, s21, s15, $0xb8;
	[tilespmem:$0xC940] =	vst v63  }
0x4a: {  	s23 =	simm.s32 $0x8930  }
0x4b: {  	[spmem:s3] =	stream.indirect.scatter.add.f32 [tilespmem:s22], [sflag:$0x7], $0x30, s23, s15, $0xb8;
	[tilespmem:$0xC940] =	vst v63  }
0x4c: {  	_ =	swait.ge [sflag:s12], $0x780  }
0x4d: {  	[sflag:s12] =	ssyncset.done $0x0  }
0x4e: {  	[sflag:s12] =	ssyncadd.s32 $0xFFFFF880  }
0x4f: {  	_ =	swait.ge [sflag:s1], $0x780  }
0x50: {  	[sflag:s1] =	ssyncset.done $0x0  }
0x51: {  	s21 =	simm.s32 $0x76C0;
	[sflag:s1] =	ssyncadd.s32 $0xFFFFF880  }
0x52: {  	[tilespmem:s24], [sflag:$0x5] =	stream.indirect.gather [hbm4b:s5+s15], $0x30, s21, s15, $0xb8;
	[tilespmem:$0xC940] =	vst v63  }
0x53: {  	s23 =	simm.s32 $0x8958  }
0x54: {  	[spmem:s3] =	stream.indirect.scatter.add.f32 [tilespmem:s24], [sflag:$0x7], $0x30, s23, s15, $0xb8;
	[tilespmem:$0xC940] =	vst v63  }
0x55: {  	_ =	swait.ge [sflag:s12], $0x780  }
0x56: {  	[sflag:s12] =	ssyncset.done $0x0  }
0x57: {  	[sflag:s12] =	ssyncadd.s32 $0xFFFFF880  }
0x58: {  	_ =	swait.ge [sflag:s0], $0x780  }
0x59: {  	[sflag:s0] =	ssyncset.done $0x0  }
0x5a: {  	s21 =	simm.s32 $0x76E8;
	[sflag:s0] =	ssyncadd.s32 $0xFFFFF880  }
0x5b: {  	[tilespmem:s26], [sflag:$0x6] =	stream.indirect.gather [hbm4b:s5+s15], $0x30, s21, s15, $0xb8;
	[tilespmem:$0xC940] =	vst v63  }
0x5c: {  	s23 =	simm.s32 $0x8980  }
0x5d: {  	[spmem:s3] =	stream.indirect.scatter.add.f32 [tilespmem:s26], [sflag:$0x7], $0x30, s23, s15, $0xb8;
	[tilespmem:$0xC940] =	vst v63  }
0x5e: {  	_ =	swait.ge [sflag:s12], $0x780  }
0x5f: {  	s19 =	simm.s32 $0x3C0;
	[sflag:s12] =	ssyncset.done $0x0  }
.LBB2_2:
0x60: {  	p0 =	sne.s32 s19, $0x4380  }
0x61: {  	[sflag:s12] =	ssyncadd.s32 $0xFFFFF880;
	s21 =	smov.u32 s19;
	s19 =	sadd.s32 $0x3C0, s19  }
0x62: {  	_ = 	snop  }
0x63: {  	_ =	swait.ge [sflag:s28], $0x780  }
0x64: {  	s21 =	sshra.s32 s21, $0x2;
	[sflag:s28] =	ssyncset.done $0x0  }
0x65: {  	s23 =	sadd.s32 $0x7620, s21;
	[sflag:s28] =	ssyncadd.s32 $0xFFFFF880  }
0x66: {  	[tilespmem:s16], [sflag:$0x1] =	stream.indirect.gather [hbm4b:s5+s15], $0x30, s23, s15, $0xb8;
	[tilespmem:$0xC940] =	vst v63  }
0x67: {  	s23 =	sadd.s32 $0x88B8, s21  }
0x68: {  	[spmem:s3] =	stream.indirect.scatter.add.f32 [tilespmem:s16], [sflag:$0x7], $0x30, s23, s15, $0xb8;
	[tilespmem:$0xC940] =	vst v63  }
0x69: {  	_ =	swait.ge [sflag:s12], $0x780  }
0x6a: {  	[sflag:s12] =	ssyncset.done $0x0  }
0x6b: {  	[sflag:s12] =	ssyncadd.s32 $0xFFFFF880  }
0x6c: {  	_ =	swait.ge [sflag:s29], $0x780  }
0x6d: {  	[sflag:s29] =	ssyncset.done $0x0  }
0x6e: {  	s23 =	sadd.s32 $0x7648, s21;
	[sflag:s29] =	ssyncadd.s32 $0xFFFFF880  }
0x6f: {  	[tilespmem:s18], [sflag:$0x2] =	stream.indirect.gather [hbm4b:s5+s15], $0x30, s23, s15, $0xb8;
	[tilespmem:$0xC940] =	vst v63  }
0x70: {  	s23 =	sadd.s32 $0x88E0, s21  }
0x71: {  	[spmem:s3] =	stream.indirect.scatter.add.f32 [tilespmem:s18], [sflag:$0x7], $0x30, s23, s15, $0xb8;
	[tilespmem:$0xC940] =	vst v63  }
0x72: {  	_ =	swait.ge [sflag:s12], $0x780  }
0x73: {  	[sflag:s12] =	ssyncset.done $0x0  }
0x74: {  	[sflag:s12] =	ssyncadd.s32 $0xFFFFF880  }
0x75: {  	_ =	swait.ge [sflag:s30], $0x780  }
0x76: {  	[sflag:s30] =	ssyncset.done $0x0  }
0x77: {  	s23 =	sadd.s32 $0x7670, s21;
	[sflag:s30] =	ssyncadd.s32 $0xFFFFF880  }
0x78: {  	[tilespmem:s20], [sflag:$0x3] =	stream.indirect.gather [hbm4b:s5+s15], $0x30, s23, s15, $0xb8;
	[tilespmem:$0xC940] =	vst v63  }
0x79: {  	s23 =	sadd.s32 $0x8908, s21  }
0x7a: {  	[spmem:s3] =	stream.indirect.scatter.add.f32 [tilespmem:s20], [sflag:$0x7], $0x30, s23, s15, $0xb8;
	[tilespmem:$0xC940] =	vst v63  }
0x7b: {  	_ =	swait.ge [sflag:s12], $0x780  }
0x7c: {  	[sflag:s12] =	ssyncset.done $0x0  }
0x7d: {  	[sflag:s12] =	ssyncadd.s32 $0xFFFFF880  }
0x7e: {  	_ =	swait.ge [sflag:s31], $0x780  }
0x7f: {  	[sflag:s31] =	ssyncset.done $0x0  }
0x80: {  	s23 =	sadd.s32 $0x7698, s21;
	[sflag:s31] =	ssyncadd.s32 $0xFFFFF880  }
0x81: {  	[tilespmem:s22], [sflag:$0x4] =	stream.indirect.gather [hbm4b:s5+s15], $0x30, s23, s15, $0xb8;
	[tilespmem:$0xC940] =	vst v63  }
0x82: {  	s23 =	sadd.s32 $0x8930, s21  }
0x83: {  	[spmem:s3] =	stream.indirect.scatter.add.f32 [tilespmem:s22], [sflag:$0x7], $0x30, s23, s15, $0xb8;
	[tilespmem:$0xC940] =	vst v63  }
0x84: {  	_ =	swait.ge [sflag:s12], $0x780  }
0x85: {  	[sflag:s12] =	ssyncset.done $0x0  }
0x86: {  	[sflag:s12] =	ssyncadd.s32 $0xFFFFF880  }
0x87: {  	_ =	swait.ge [sflag:s1], $0x780  }
0x88: {  	[sflag:s1] =	ssyncset.done $0x0  }
0x89: {  	s23 =	sadd.s32 $0x76C0, s21;
	[sflag:s1] =	ssyncadd.s32 $0xFFFFF880  }
0x8a: {  	[tilespmem:s24], [sflag:$0x5] =	stream.indirect.gather [hbm4b:s5+s15], $0x30, s23, s15, $0xb8;
	[tilespmem:$0xC940] =	vst v63  }
0x8b: {  	s23 =	sadd.s32 $0x8958, s21  }
0x8c: {  	[spmem:s3] =	stream.indirect.scatter.add.f32 [tilespmem:s24], [sflag:$0x7], $0x30, s23, s15, $0xb8;
	[tilespmem:$0xC940] =	vst v63  }
0x8d: {  	_ =	swait.ge [sflag:s12], $0x780  }
0x8e: {  	[sflag:s12] =	ssyncset.done $0x0  }
0x8f: {  	[sflag:s12] =	ssyncadd.s32 $0xFFFFF880  }
0x90: {  	_ =	swait.ge [sflag:s0], $0x780  }
0x91: {  	[sflag:s0] =	ssyncset.done $0x0  }
0x92: {  	s23 =	sadd.s32 $0x76E8, s21;
	[sflag:s0] =	ssyncadd.s32 $0xFFFFF880  }
0x93: {  	[tilespmem:s26], [sflag:$0x6] =	stream.indirect.gather [hbm4b:s5+s15], $0x30, s23, s15, $0xb8;
	[tilespmem:$0xC940] =	vst v63  }
.Ltmp0:
0x94: {  	_ = 	snop;
	(pc) =	sbr.rel @p0 .LBB2_2-.Ltmp0, $4  }
0x95: {  	s21 =	sadd.s32 $0x8980, s21  }
0x96: {  	[spmem:s3] =	stream.indirect.scatter.add.f32 [tilespmem:s26], [sflag:$0x7], $0x30, s21, s15, $0xb8;
	[tilespmem:$0xC940] =	vst v63  }
0x97: {  	_ =	swait.ge [sflag:s12], $0x780  }
0x98: {  	[sflag:s12] =	ssyncset.done $0x0  }
0x99: {  	[sflag:s12] =	ssyncadd.s32 $0xFFFFF880  }
0x9a: {  	_ =	swait.ge [sflag:s28], $0x780  }
0x9b: {  	[sflag:s28] =	ssyncset.done $0x0  }
0x9c: {  	s19 =	simm.s32 $0x87F0;
	[sflag:s28] =	ssyncadd.s32 $0xFFFFF880  }
0x9d: {  	[tilespmem:s16], [sflag:$0x1] =	stream.indirect.gather [hbm4b:s5+s15], $0x30, s19, s15, $0xb8;
	[tilespmem:$0xC940] =	vst v63  }
0x9e: {  	s21 =	simm.s32 $0x9A88  }
0x9f: {  	[spmem:s3] =	stream.indirect.scatter.add.f32 [tilespmem:s16], [sflag:$0x7], $0x30, s21, s15, $0xb8;
	[tilespmem:$0xC940] =	vst v63  }
0xa0: {  	_ =	swait.ge [sflag:s12], $0x780  }
0xa1: {  	[sflag:s12] =	ssyncset.done $0x0  }
0xa2: {  	[sflag:s12] =	ssyncadd.s32 $0xFFFFF880  }
0xa3: {  	_ =	swait.ge [sflag:s29], $0x780  }
0xa4: {  	[sflag:s29] =	ssyncset.done $0x0  }
0xa5: {  	s23 =	simm.s32 $0x8818;
	[sflag:s29] =	ssyncadd.s32 $0xFFFFF880  }
0xa6: {  	[tilespmem:s18], [sflag:$0x2] =	stream.indirect.gather [hbm4b:s5+s15], $0x30, s23, s15, $0xb8;
	[tilespmem:$0xC940] =	vst v63  }
0xa7: {  	s21 =	simm.s32 $0x9AB0  }
0xa8: {  	[spmem:s3] =	stream.indirect.scatter.add.f32 [tilespmem:s18], [sflag:$0x7], $0x30, s21, s15, $0xb8;
	[tilespmem:$0xC940] =	vst v63  }
0xa9: {  	_ =	swait.ge [sflag:s12], $0x780  }
0xaa: {  	[sflag:s12] =	ssyncset.done $0x0  }
0xab: {  	[sflag:s12] =	ssyncadd.s32 $0xFFFFF880  }
0xac: {  	_ =	swait.ge [sflag:s30], $0x780  }
0xad: {  	[sflag:s30] =	ssyncset.done $0x0  }
0xae: {  	s23 =	simm.s32 $0x8840;
	[sflag:s30] =	ssyncadd.s32 $0xFFFFF880  }
0xaf: {  	[tilespmem:s20], [sflag:$0x3] =	stream.indirect.gather [hbm4b:s5+s15], $0x30, s23, s15, $0xb8;
	[tilespmem:$0xC940] =	vst v63  }
0xb0: {  	s21 =	simm.s32 $0x9AD8  }
0xb1: {  	[spmem:s3] =	stream.indirect.scatter.add.f32 [tilespmem:s20], [sflag:$0x7], $0x30, s21, s15, $0xb8;
	[tilespmem:$0xC940] =	vst v63  }
0xb2: {  	_ =	swait.ge [sflag:s12], $0x780  }
0xb3: {  	[sflag:s12] =	ssyncset.done $0x0  }
0xb4: {  	[sflag:s12] =	ssyncadd.s32 $0xFFFFF880  }
0xb5: {  	_ =	swait.ge [sflag:s31], $0x780  }
0xb6: {  	[sflag:s31] =	ssyncset.done $0x0  }
0xb7: {  	s23 =	simm.s32 $0x8868;
	[sflag:s31] =	ssyncadd.s32 $0xFFFFF880  }
0xb8: {  	[tilespmem:s22], [sflag:$0x4] =	stream.indirect.gather [hbm4b:s5+s15], $0x30, s23, s15, $0xb8;
	[tilespmem:$0xC940] =	vst v63  }
0xb9: {  	s21 =	simm.s32 $0x9B00  }
0xba: {  	[spmem:s3] =	stream.indirect.scatter.add.f32 [tilespmem:s22], [sflag:$0x7], $0x30, s21, s15, $0xb8;
	[tilespmem:$0xC940] =	vst v63  }
0xbb: {  	_ =	swait.ge [sflag:s12], $0x780  }
0xbc: {  	[sflag:s12] =	ssyncset.done $0x0  }
0xbd: {  	[sflag:s12] =	ssyncadd.s32 $0xFFFFF880  }
0xbe: {  	_ =	swait.ge [sflag:s1], $0x780  }
0xbf: {  	[sflag:s1] =	ssyncset.done $0x0  }
0xc0: {  	s23 =	simm.s32 $0x8890;
	[sflag:s1] =	ssyncadd.s32 $0xFFFFF880  }
0xc1: {  	[tilespmem:s24], [sflag:$0x5] =	stream.indirect.gather [hbm4b:s5+s15], $0x30, s23, s15, $0xb8;
	[tilespmem:$0xC940] =	vst v63  }
0xc2: {  	s21 =	simm.s32 $0x9B28  }
0xc3: {  	[spmem:s3] =	stream.indirect.scatter.add.f32 [tilespmem:s24], [sflag:$0x7], $0x30, s21, s15, $0xb8;
	[tilespmem:$0xC940] =	vst v63  }
0xc4: {  	_ =	swait.ge [sflag:s12], $0x780  }
0xc5: {  	[sflag:s12] =	ssyncset.done $0x0  }
0xc6: {  	[sflag:s12] =	ssyncadd.s32 $0xFFFFF880  }
0xc7: {  	_ =	swait.ge [sflag:s0], $0x780  }
0xc8: {  	[sflag:s0] =	ssyncset.done $0x0  }
0xc9: {  	s23 =	simm.s32 $0x9B50;
	[sflag:s0] =	ssyncadd.s32 $0xFFFFF880  }
0xca: {  	[spmem:s3] =	stream.indirect.scatter.add.f32 [tilespmem:s26], [sflag:$0x7], $0x30, s23, s15, $0xb8;
	[tilespmem:$0xC940] =	vst v63  }
0xcb: {  	_ =	swait.ge [sflag:s12], $0x780  }
0xcc: {  	[sflag:s12] =	ssyncset.done $0x0  }
0xcd: {  	[sflag:s12] =	ssyncadd.s32 $0xFFFFF880  }
0xce: {  	_ =	swait.ge [sflag:s28], $0x780  }
0xcf: {  	[sflag:s28] =	ssyncset.done $0x0  }
0xd0: {  	s21 =	simm.s32 $0x9B78;
	[sflag:s28] =	ssyncadd.s32 $0xFFFFF880  }
0xd1: {  	[spmem:s3] =	stream.indirect.scatter.add.f32 [tilespmem:s16], [sflag:$0x7], $0x30, s21, s15, $0xb8;
	[tilespmem:$0xC940] =	vst v63  }
0xd2: {  	_ =	swait.ge [sflag:s12], $0x780  }
0xd3: {  	[sflag:s12] =	ssyncset.done $0x0  }
0xd4: {  	[sflag:s12] =	ssyncadd.s32 $0xFFFFF880  }
0xd5: {  	_ =	swait.ge [sflag:s29], $0x780  }
0xd6: {  	[sflag:s29] =	ssyncset.done $0x0  }
0xd7: {  	s23 =	simm.s32 $0x9BA0;
	[sflag:s29] =	ssyncadd.s32 $0xFFFFF880  }
0xd8: {  	[spmem:s3] =	stream.indirect.scatter.add.f32 [tilespmem:s18], [sflag:$0x7], $0x30, s23, s15, $0xb8;
	[tilespmem:$0xC940] =	vst v63  }
0xd9: {  	_ =	swait.ge [sflag:s12], $0x780  }
0xda: {  	[sflag:s12] =	ssyncset.done $0x0  }
0xdb: {  	[sflag:s12] =	ssyncadd.s32 $0xFFFFF880  }
0xdc: {  	_ =	swait.ge [sflag:s30], $0x780  }
0xdd: {  	[sflag:s30] =	ssyncset.done $0x0  }
0xde: {  	[sflag:s30] =	ssyncadd.s32 $0xFFFFF880  }
0xdf: {  	[spmem:s3] =	stream.indirect.scatter.add.f32 [tilespmem:s20], [sflag:$0x7], $0x30, s25, s15, $0xb8;
	[tilespmem:$0xC940] =	vst v63  }
0xe0: {  	_ =	swait.ge [sflag:s12], $0x780  }
0xe1: {  	[sflag:s12] =	ssyncset.done $0x0  }
0xe2: {  	[sflag:s12] =	ssyncadd.s32 $0xFFFFF880  }
0xe3: {  	_ =	swait.ge [sflag:s31], $0x780  }
0xe4: {  	[sflag:s31] =	ssyncset.done $0x0  }
0xe5: {  	[sflag:s31] =	ssyncadd.s32 $0xFFFFF880  }
0xe6: {  	[spmem:s3] =	stream.indirect.scatter.add.f32 [tilespmem:s22], [sflag:$0x7], $0x30, s2, s15, $0xb8;
	[tilespmem:$0xC940] =	vst v63  }
0xe7: {  	_ =	swait.ge [sflag:s12], $0x780  }
0xe8: {  	[sflag:s12] =	ssyncset.done $0x0  }
0xe9: {  	[sflag:s12] =	ssyncadd.s32 $0xFFFFF880  }
0xea: {  	_ =	swait.ge [sflag:s1], $0x780  }
0xeb: {  	[sflag:s1] =	ssyncset.done $0x0  }
0xec: {  	[sflag:s1] =	ssyncadd.s32 $0xFFFFF880  }
0xed: {  	[spmem:s3] =	stream.indirect.scatter.add.f32 [tilespmem:s24], [sflag:$0x7], $0x30, s14, s15, $0xb8;
	[tilespmem:$0xC940] =	vst v63  }
0xee: {  	_ =	swait.ge [sflag:s12], $0x780  }
0xef: {  	s17 =	sadd.s32 $0x1, s17;
	[sflag:s12] =	ssyncset.done $0x0  }
0xf0: {  	p0 =	sne.s32 s17, s10;
	[sflag:s12] =	ssyncadd.s32 $0xFFFFF880  }
.Ltmp1:
0xf1: {  	[bflag:$0x0] =	sbarrier.arrive $0xFFFF;
	(pc) =	sbr.rel @p0 .LBB2_1-.Ltmp1, $4  }
0xf2: {  	[hbm:s9], [sflag:s6] =	dma.local [spmem:s11], $0xEA6  }
0xf3: {  	_ =	swait.ge [sflag:s12], $0xEA6  }
0xf4: {  	[sflag:s12] =	ssyncset.done $0x0  }
0xf5: {  	[sflag:s12] =	ssyncadd.s32 $0xFFFFF15A  }
0xf6: {  	_ =	sfence.sel $0x180000  }
0xf7: {  	[bflag:$0x0] =	sbarrier.arrive $0xFFFF  }
0xf8: {  	_ =	strace $0x9000004A  }
0xf9: {  	s0 =	stileid.u32;
	[bflag:$0x2] =	sbarrier.arrive $0xFFFF  }
0xfa: {  	p0 =	sne.s32 s0, $0x0;
	s0 =	rddreg [dreg:$0x3]  }
0xfb: {  	s0 =	sadd.s32 @!p0 $0x100000, s0  }
0xfc: {  	[sflag:s0] =	ssyncadd.tile.s32 @!p0 $0x1;
	_ =	shalt  }
.Lfunc_end2:
_tile_overlayer_lowered:
.L_overlay_start_2:
0xfd: {  	(tag) =	ssettag $0x2  }
0xfe: {  	s0 =	rddreg [dreg:$0x0];
	s2 =	stileid.u32  }
0xff: {  	s1 =	rddreg [dreg:$0x1];
	p0 =	sne.s32 s2, $0x0  }
0x100: {  	s3 =	rddreg [dreg:$0x2];
	[bflag:$0x3] =	sbarrier.arrive $0xFFFF;
	s2 =	simm.s32 @!p0 $0x1C07  }
0x101: {  	[timem:s3], [sflag:s2] =	dma.local @!p0 [hbm:s0], s1  }
0x102: {  	s0 =	simm.s32 @!p0 $0x7  }
0x103: {  	_ =	swait.ge @!p0 [sflag:s0], s1  }
0x104: {  	s1 =	ssub.s32 @!p0 $0x0, s1;
	[sflag:s0] =	ssyncset.done @!p0 $0x0  }
0x105: {  	[sflag:s0] =	ssyncadd.s32 @!p0 s1  }
0x106: {  	[bflag:$0x3] =	sbarrier.arrive $0xFFFF  }
0x107: {  	_ =	shalt  }

</sc_bundles>
